<compile_context>
chip_gen: v7x
topology: tpu7x:2x2x1
jax: 0.10.2.dev20260603
libtpu: 0.0.44.dev20260713+nightly
codegen_flags: <defaults>
</compile_context>

<pallas_src>
import functools

import jax
import jax.numpy as jnp
from jax import lax
from jax.experimental import pallas as pl
from jax.experimental.pallas import tpu as pltpu
from jax.experimental.pallas import tpu_sc as plsc

MAX_LEN = 8192
D_MODEL = 1024

_info = plsc.get_sparse_core_info()
NC, NS = _info.num_cores, _info.num_subcores
NW = NC * NS

B_TOTAL = 4 * 8192
B_PER_W = B_TOTAL // NW
CHUNK = 32
NCHUNK = B_PER_W // CHUNK
NBUF = 3


@functools.partial(
    pl.kernel,
    mesh=plsc.VectorSubcoreMesh(core_axis_name="c", subcore_axis_name="s"),
    out_type=jax.ShapeDtypeStruct((B_TOTAL, D_MODEL), jnp.float32),
    scratch_types=[
        pltpu.VMEM((NCHUNK, CHUNK), jnp.int32),
        pltpu.VMEM((NBUF, CHUNK, D_MODEL), jnp.float32),
        pltpu.SemaphoreType.DMA,
        pltpu.SemaphoreType.DMA,
    ],
)
def _emb_lookup(idx_hbm, table_hbm, out_hbm, idx_v, buf_v, gsem, ssem):
    wid = lax.axis_index("s") * NC + lax.axis_index("c")
    base = wid * B_PER_W
    pltpu.sync_copy(idx_hbm.at[wid], idx_v)

    def gather_start(j):
        pltpu.async_copy(table_hbm.at[idx_v.at[j]], buf_v.at[j % NBUF], gsem)

    def gather_wait():
        pltpu.make_async_copy(
            table_hbm.at[pl.ds(0, CHUNK)], buf_v.at[0], gsem
        ).wait()

    def scatter_start(j):
        pltpu.async_copy(
            buf_v.at[j % NBUF], out_hbm.at[pl.ds(base + j * CHUNK, CHUNK)], ssem
        )

    def scatter_wait():
        pltpu.make_async_copy(
            buf_v.at[0], out_hbm.at[pl.ds(base, CHUNK)], ssem
        ).wait()

    for b in range(NBUF - 1):
        gather_start(b)

    gather_wait()
    scatter_start(0)
    gather_start(NBUF - 1)

    def steady(j, carry):
        gather_wait()
        scatter_start(j)
        scatter_wait()
        gather_start(j + NBUF - 1)
        return carry

    lax.fori_loop(1, NCHUNK - NBUF + 1, steady, 0)

    for j in range(NCHUNK - NBUF + 1, NCHUNK):
        gather_wait()
        scatter_start(j)
    for _ in range(NBUF):
        scatter_wait()


def kernel(positions, pe_weight):
    idx = positions.reshape(NW, NCHUNK, CHUNK).astype(jnp.int32)
    out = _emb_lookup(idx, pe_weight)
    return out.reshape(positions.shape + (D_MODEL,))

# --- scband reference (transcript-rebuilt; emitter-appended) ---
"""Pipeline reference for scband-learned-positional-embedding-59657095741916 (READ-ONLY COPY).

The authoritative reference and input builder live on the scoring server;
editing this copy changes nothing except your own understanding.
"""

import jax, jax.numpy as jnp
import numpy as np

MAX_LEN = 8192
D_MODEL = 1024
BATCH = 4
SEQ_LEN = 8192

def setup_inputs(seed: int = 0) -> dict:
    key = jax.random.key(seed)
    k_pos, k_tab = jax.random.split(key)
    positions = jax.random.randint(k_pos, (BATCH, SEQ_LEN), 0, MAX_LEN, dtype=jnp.int64 if jax.config.jax_enable_x64 else jnp.int32)
    # nn.Embedding default init: N(0, 1)
    pe_weight = jax.random.normal(k_tab, (MAX_LEN, D_MODEL), dtype=jnp.float32)
    return {"positions": positions, "pe_weight": pe_weight}

def reference(positions, pe_weight):
    # LearnedPositionalEmbedding.forward: self.pe(positions)
    return jnp.take(pe_weight, positions, axis=0)

if __name__ == "__main__":
    import jax
    _d = setup_inputs()
    print(jax.jit(kernel)(*tuple(_d.values())))

</pallas_src>

<mosaic_0001>
#map = affine_map<(d0, d1) -> (0, 0, 0)>
#map1 = affine_map<(d0, d1) -> (0, 0)>
module attributes {stable_mosaic.version = 14 : i64} {
  func.func @_emb_lookup(%arg0: i32, %arg1: i32, %arg2: memref<32x32x32xi32, #tpu.memory_space<hbm>>, %arg3: memref<8192x1024xf32, #tpu.memory_space<hbm>>, %arg4: memref<32768x1024xf32, #tpu.memory_space<hbm>>, %arg5: memref<32x32xi32, #tpu.memory_space<vmem>>, %arg6: memref<3x32x1024xf32, #tpu.memory_space<vmem>>, %arg7: memref<!tpu.dma_semaphore, #tpu.memory_space<semaphore_mem>>, %arg8: memref<!tpu.dma_semaphore, #tpu.memory_space<semaphore_mem>>) attributes {dimension_semantics = [#tpu.dimension_semantics<core_parallel>, #tpu.dimension_semantics<subcore_parallel>], iteration_bounds = array<i64: 2, 16>, scalar_prefetch = 0 : i64, scratch_operands = 4 : i64, tpu.core_type = #tpu.core_type<sc_vector_subcore>, window_params = [{transform_indices = #map}, {transform_indices = #map1}, {transform_indices = #map1}]} {
    %mul3A = arith.constant 2 : i32
    %mul3A_0 = arith.muli %arg1, %mul3A : i32
    %add3A = arith.addi %mul3A_0, %arg0 : i32
    %mul3A_1 = arith.constant 1024 : i32
    %mul3A_2 = arith.muli %add3A, %mul3A_1 : i32
    "tpu.region"() ({
      %run_scoped3A = tpu.sem_alloc : memref<!tpu.dma_semaphore, #tpu.memory_space<semaphore_mem>>
      %dma_start3A_171 = arith.constant 0 : i32
      %dma_start3A_172 = arith.constant 0 : i32
      %dma_start3A_173 = tpu.memref_slice %arg2[%add3A, %dma_start3A_171, %dma_start3A_172] : memref<32x32x32xi32, #tpu.memory_space<hbm>> -> memref<1x32x32xi32, #tpu.memory_space<hbm>>
      %dma_start3A_174 = tpu.memref_squeeze %dma_start3A_173 : memref<1x32x32xi32, #tpu.memory_space<hbm>> -> memref<32x32xi32, #tpu.memory_space<hbm>>
      %dma_start3A_175 = arith.constant 0 : i32
      %dma_start3A_176 = arith.constant 0 : i32
      %dma_start3A_177 = tpu.memref_slice %arg2[%add3A, %dma_start3A_175, %dma_start3A_176] : memref<32x32x32xi32, #tpu.memory_space<hbm>> -> memref<1x32x32xi32, #tpu.memory_space<hbm>>
      %dma_start3A_178 = tpu.memref_squeeze %dma_start3A_177 : memref<1x32x32xi32, #tpu.memory_space<hbm>> -> memref<32x32xi32, #tpu.memory_space<hbm>>
      tpu.enqueue_dma source(%dma_start3A_178 : memref<32x32xi32, #tpu.memory_space<hbm>>) target(%arg5 : memref<32x32xi32, #tpu.memory_space<vmem>>) target_semaphore(%run_scoped3A : memref<!tpu.dma_semaphore, #tpu.memory_space<semaphore_mem>>)
      %dma_wait3A_179 = arith.constant 0 : i32
      %dma_wait3A_180 = arith.constant 0 : i32
      %dma_wait3A_181 = tpu.memref_slice %arg2[%add3A, %dma_wait3A_179, %dma_wait3A_180] : memref<32x32x32xi32, #tpu.memory_space<hbm>> -> memref<1x32x32xi32, #tpu.memory_space<hbm>>
      %dma_wait3A_182 = tpu.memref_squeeze %dma_wait3A_181 : memref<1x32x32xi32, #tpu.memory_space<hbm>> -> memref<32x32xi32, #tpu.memory_space<hbm>>
      %dma_wait3A_183 = arith.constant 0 : i32
      %dma_wait3A_184 = arith.constant 0 : i32
      %dma_wait3A_185 = tpu.memref_slice %arg2[%add3A, %dma_wait3A_183, %dma_wait3A_184] : memref<32x32x32xi32, #tpu.memory_space<hbm>> -> memref<1x32x32xi32, #tpu.memory_space<hbm>>
      %dma_wait3A_186 = tpu.memref_squeeze %dma_wait3A_185 : memref<1x32x32xi32, #tpu.memory_space<hbm>> -> memref<32x32xi32, #tpu.memory_space<hbm>>
      tpu.wait_dma2 semaphore(%run_scoped3A : memref<!tpu.dma_semaphore, #tpu.memory_space<semaphore_mem>>) src(%dma_wait3A_186 : memref<32x32xi32, #tpu.memory_space<hbm>>) dst(%arg5 : memref<32x32xi32, #tpu.memory_space<vmem>>)
      tpu.yield
    }) : () -> ()
    %dma_start3A = arith.constant 0 : i32
    %dma_start3A_3 = arith.constant 0 : i32
    %dma_start3A_4 = arith.constant 0 : i32
    %dma_start3A_5 = arith.constant 0 : i32
    %dma_start3A_6 = tpu.memref_slice %arg6[%dma_start3A_3, %dma_start3A_4, %dma_start3A_5] : memref<3x32x1024xf32, #tpu.memory_space<vmem>> -> memref<1x32x1024xf32, #tpu.memory_space<vmem>>
    %dma_start3A_7 = tpu.memref_squeeze %dma_start3A_6 : memref<1x32x1024xf32, #tpu.memory_space<vmem>> -> memref<32x1024xf32, #tpu.memory_space<vmem>>
    %dma_start3A_8 = arith.constant 0 : i32
    %dma_start3A_9 = tpu.memref_slice %arg5[%dma_start3A, %dma_start3A_8] : memref<32x32xi32, #tpu.memory_space<vmem>> -> memref<1x32xi32, #tpu.memory_space<vmem>>
    %dma_start3A_10 = tpu.memref_squeeze %dma_start3A_9 : memref<1x32xi32, #tpu.memory_space<vmem>> -> memref<32xi32, #tpu.memory_space<vmem>>
    %dma_start3A_11 = arith.constant 0 : i32
    %dma_start3A_12 = arith.constant 0 : i32
    %dma_start3A_13 = tpu.memref_slice %arg3[%dma_start3A_11, %dma_start3A_12] : memref<8192x1024xf32, #tpu.memory_space<hbm>> -> memref<8192x1024xf32, #tpu.memory_space<hbm>>
    tpu.enqueue_indirect_dma source(%dma_start3A_13 : memref<8192x1024xf32, #tpu.memory_space<hbm>>) target(%dma_start3A_7 : memref<32x1024xf32, #tpu.memory_space<vmem>>) offsets(%dma_start3A_10 : memref<32xi32, #tpu.memory_space<vmem>>) semaphore(%arg7 : memref<!tpu.dma_semaphore, #tpu.memory_space<semaphore_mem>>)
    %dma_start3A_14 = arith.constant 1 : i32
    %dma_start3A_15 = arith.constant 1 : i32
    %dma_start3A_16 = arith.constant 0 : i32
    %dma_start3A_17 = arith.constant 0 : i32
    %dma_start3A_18 = tpu.memref_slice %arg6[%dma_start3A_15, %dma_start3A_16, %dma_start3A_17] : memref<3x32x1024xf32, #tpu.memory_space<vmem>> -> memref<1x32x1024xf32, #tpu.memory_space<vmem>>
    %dma_start3A_19 = tpu.memref_squeeze %dma_start3A_18 : memref<1x32x1024xf32, #tpu.memory_space<vmem>> -> memref<32x1024xf32, #tpu.memory_space<vmem>>
    %dma_start3A_20 = arith.constant 0 : i32
    %dma_start3A_21 = tpu.memref_slice %arg5[%dma_start3A_14, %dma_start3A_20] : memref<32x32xi32, #tpu.memory_space<vmem>> -> memref<1x32xi32, #tpu.memory_space<vmem>>
    %dma_start3A_22 = tpu.memref_squeeze %dma_start3A_21 : memref<1x32xi32, #tpu.memory_space<vmem>> -> memref<32xi32, #tpu.memory_space<vmem>>
    %dma_start3A_23 = arith.constant 0 : i32
    %dma_start3A_24 = arith.constant 0 : i32
    %dma_start3A_25 = tpu.memref_slice %arg3[%dma_start3A_23, %dma_start3A_24] : memref<8192x1024xf32, #tpu.memory_space<hbm>> -> memref<8192x1024xf32, #tpu.memory_space<hbm>>
    tpu.enqueue_indirect_dma source(%dma_start3A_25 : memref<8192x1024xf32, #tpu.memory_space<hbm>>) target(%dma_start3A_19 : memref<32x1024xf32, #tpu.memory_space<vmem>>) offsets(%dma_start3A_22 : memref<32xi32, #tpu.memory_space<vmem>>) semaphore(%arg7 : memref<!tpu.dma_semaphore, #tpu.memory_space<semaphore_mem>>)
    %dma_wait3A = arith.constant 0 : i32
    %dma_wait3A_26 = arith.constant 0 : i32
    %dma_wait3A_27 = arith.constant 0 : i32
    %dma_wait3A_28 = tpu.memref_slice %arg6[%dma_wait3A, %dma_wait3A_26, %dma_wait3A_27] : memref<3x32x1024xf32, #tpu.memory_space<vmem>> -> memref<1x32x1024xf32, #tpu.memory_space<vmem>>
    %dma_wait3A_29 = tpu.memref_squeeze %dma_wait3A_28 : memref<1x32x1024xf32, #tpu.memory_space<vmem>> -> memref<32x1024xf32, #tpu.memory_space<vmem>>
    %dma_wait3A_30 = arith.constant 0 : i32
    %dma_wait3A_31 = arith.constant 0 : i32
    %dma_wait3A_32 = tpu.memref_slice %arg3[%dma_wait3A_30, %dma_wait3A_31] : memref<8192x1024xf32, #tpu.memory_space<hbm>> -> memref<32x1024xf32, #tpu.memory_space<hbm>>
    %dma_wait3A_33 = arith.constant 0 : i32
    %dma_wait3A_34 = arith.constant 0 : i32
    %dma_wait3A_35 = tpu.memref_slice %arg6[%dma_wait3A, %dma_wait3A_33, %dma_wait3A_34] : memref<3x32x1024xf32, #tpu.memory_space<vmem>> -> memref<1x32x1024xf32, #tpu.memory_space<vmem>>
    %dma_wait3A_36 = tpu.memref_squeeze %dma_wait3A_35 : memref<1x32x1024xf32, #tpu.memory_space<vmem>> -> memref<32x1024xf32, #tpu.memory_space<vmem>>
    %dma_wait3A_37 = arith.constant 0 : i32
    %dma_wait3A_38 = arith.constant 0 : i32
    %dma_wait3A_39 = tpu.memref_slice %arg3[%dma_wait3A_37, %dma_wait3A_38] : memref<8192x1024xf32, #tpu.memory_space<hbm>> -> memref<32x1024xf32, #tpu.memory_space<hbm>>
    tpu.wait_dma2 semaphore(%arg7 : memref<!tpu.dma_semaphore, #tpu.memory_space<semaphore_mem>>) src(%dma_wait3A_39 : memref<32x1024xf32, #tpu.memory_space<hbm>>) dst(%dma_wait3A_36 : memref<32x1024xf32, #tpu.memory_space<vmem>>)
    %add3A_40 = arith.constant 0 : i32
    %add3A_41 = arith.addi %mul3A_2, %add3A_40 : i32
    %dma_start3A_42 = arith.constant 0 : i32
    %dma_start3A_43 = arith.constant 0 : i32
    %dma_start3A_44 = arith.constant 0 : i32
    %dma_start3A_45 = tpu.memref_slice %arg6[%dma_start3A_42, %dma_start3A_43, %dma_start3A_44] : memref<3x32x1024xf32, #tpu.memory_space<vmem>> -> memref<1x32x1024xf32, #tpu.memory_space<vmem>>
    %dma_start3A_46 = tpu.memref_squeeze %dma_start3A_45 : memref<1x32x1024xf32, #tpu.memory_space<vmem>> -> memref<32x1024xf32, #tpu.memory_space<vmem>>
    %dma_start3A_47 = arith.constant 0 : i32
    %dma_start3A_48 = tpu.memref_slice %arg4[%add3A_41, %dma_start3A_47] : memref<32768x1024xf32, #tpu.memory_space<hbm>> -> memref<32x1024xf32, #tpu.memory_space<hbm>>
    %dma_start3A_49 = arith.constant 0 : i32
    %dma_start3A_50 = tpu.memref_slice %arg4[%add3A_41, %dma_start3A_49] : memref<32768x1024xf32, #tpu.memory_space<hbm>> -> memref<32x1024xf32, #tpu.memory_space<hbm>>
    %dma_start3A_51 = arith.constant 0 : i32
    %dma_start3A_52 = arith.constant 0 : i32
    %dma_start3A_53 = tpu.memref_slice %arg6[%dma_start3A_42, %dma_start3A_51, %dma_start3A_52] : memref<3x32x1024xf32, #tpu.memory_space<vmem>> -> memref<1x32x1024xf32, #tpu.memory_space<vmem>>
    %dma_start3A_54 = tpu.memref_squeeze %dma_start3A_53 : memref<1x32x1024xf32, #tpu.memory_space<vmem>> -> memref<32x1024xf32, #tpu.memory_space<vmem>>
    tpu.enqueue_dma source(%dma_start3A_54 : memref<32x1024xf32, #tpu.memory_space<vmem>>) target(%dma_start3A_50 : memref<32x1024xf32, #tpu.memory_space<hbm>>) target_semaphore(%arg8 : memref<!tpu.dma_semaphore, #tpu.memory_space<semaphore_mem>>)
    %dma_start3A_55 = arith.constant 2 : i32
    %dma_start3A_56 = arith.constant 2 : i32
    %dma_start3A_57 = arith.constant 0 : i32
    %dma_start3A_58 = arith.constant 0 : i32
    %dma_start3A_59 = tpu.memref_slice %arg6[%dma_start3A_56, %dma_start3A_57, %dma_start3A_58] : memref<3x32x1024xf32, #tpu.memory_space<vmem>> -> memref<1x32x1024xf32, #tpu.memory_space<vmem>>
    %dma_start3A_60 = tpu.memref_squeeze %dma_start3A_59 : memref<1x32x1024xf32, #tpu.memory_space<vmem>> -> memref<32x1024xf32, #tpu.memory_space<vmem>>
    %dma_start3A_61 = arith.constant 0 : i32
    %dma_start3A_62 = tpu.memref_slice %arg5[%dma_start3A_55, %dma_start3A_61] : memref<32x32xi32, #tpu.memory_space<vmem>> -> memref<1x32xi32, #tpu.memory_space<vmem>>
    %dma_start3A_63 = tpu.memref_squeeze %dma_start3A_62 : memref<1x32xi32, #tpu.memory_space<vmem>> -> memref<32xi32, #tpu.memory_space<vmem>>
    %dma_start3A_64 = arith.constant 0 : i32
    %dma_start3A_65 = arith.constant 0 : i32
    %dma_start3A_66 = tpu.memref_slice %arg3[%dma_start3A_64, %dma_start3A_65] : memref<8192x1024xf32, #tpu.memory_space<hbm>> -> memref<8192x1024xf32, #tpu.memory_space<hbm>>
    tpu.enqueue_indirect_dma source(%dma_start3A_66 : memref<8192x1024xf32, #tpu.memory_space<hbm>>) target(%dma_start3A_60 : memref<32x1024xf32, #tpu.memory_space<vmem>>) offsets(%dma_start3A_63 : memref<32xi32, #tpu.memory_space<vmem>>) semaphore(%arg7 : memref<!tpu.dma_semaphore, #tpu.memory_space<semaphore_mem>>)
    %scan3A = arith.constant 0 : i32
    %scan3A_67 = arith.constant 1 : i32
    %scan3A_68 = arith.constant 29 : i32
    %scan3A_69 = arith.addi %scan3A_67, %scan3A_68 : i32
    %scan3A_70 = arith.constant 1 : i32
    scf.for %scan3A_171 = %scan3A_67 to %scan3A_69 step %scan3A_70  : i32 {
      %dma_wait3A_172 = arith.constant 0 : i32
      %dma_wait3A_173 = arith.constant 0 : i32
      %dma_wait3A_174 = arith.constant 0 : i32
      %dma_wait3A_175 = tpu.memref_slice %arg6[%dma_wait3A_172, %dma_wait3A_173, %dma_wait3A_174] : memref<3x32x1024xf32, #tpu.memory_space<vmem>> -> memref<1x32x1024xf32, #tpu.memory_space<vmem>>
      %dma_wait3A_176 = tpu.memref_squeeze %dma_wait3A_175 : memref<1x32x1024xf32, #tpu.memory_space<vmem>> -> memref<32x1024xf32, #tpu.memory_space<vmem>>
      %dma_wait3A_177 = arith.constant 0 : i32
      %dma_wait3A_178 = arith.constant 0 : i32
      %dma_wait3A_179 = tpu.memref_slice %arg3[%dma_wait3A_177, %dma_wait3A_178] : memref<8192x1024xf32, #tpu.memory_space<hbm>> -> memref<32x1024xf32, #tpu.memory_space<hbm>>
      %dma_wait3A_180 = arith.constant 0 : i32
      %dma_wait3A_181 = arith.constant 0 : i32
      %dma_wait3A_182 = tpu.memref_slice %arg6[%dma_wait3A_172, %dma_wait3A_180, %dma_wait3A_181] : memref<3x32x1024xf32, #tpu.memory_space<vmem>> -> memref<1x32x1024xf32, #tpu.memory_space<vmem>>
      %dma_wait3A_183 = tpu.memref_squeeze %dma_wait3A_182 : memref<1x32x1024xf32, #tpu.memory_space<vmem>> -> memref<32x1024xf32, #tpu.memory_space<vmem>>
      %dma_wait3A_184 = arith.constant 0 : i32
      %dma_wait3A_185 = arith.constant 0 : i32
      %dma_wait3A_186 = tpu.memref_slice %arg3[%dma_wait3A_184, %dma_wait3A_185] : memref<8192x1024xf32, #tpu.memory_space<hbm>> -> memref<32x1024xf32, #tpu.memory_space<hbm>>
      tpu.wait_dma2 semaphore(%arg7 : memref<!tpu.dma_semaphore, #tpu.memory_space<semaphore_mem>>) src(%dma_wait3A_186 : memref<32x1024xf32, #tpu.memory_space<hbm>>) dst(%dma_wait3A_183 : memref<32x1024xf32, #tpu.memory_space<vmem>>)
      %jit3A = arith.constant 3 : i32
      %eq3A = arith.constant 0 : i32
      %eq3A_187 = arith.cmpi eq, %jit3A, %eq3A : i32
      %jit3A_188 = arith.constant 1 : i32
      %select_n3A = arith.select %eq3A_187, %jit3A_188, %jit3A : i32
      %rem3A = arith.remsi %scan3A_171, %select_n3A : i32
      %ne3A = arith.constant 0 : i32
      %ne3A_189 = arith.cmpi ne, %rem3A, %ne3A : i32
      %lt3A = arith.constant 0 : i32
      %lt3A_190 = arith.cmpi slt, %rem3A, %lt3A : i32
      %lt3A_191 = arith.constant 0 : i32
      %lt3A_192 = arith.cmpi slt, %select_n3A, %lt3A_191 : i32
      %ne3A_193 = arith.xori %lt3A_190, %lt3A_192 : i1
      %and3A = arith.andi %ne3A_193, %ne3A_189 : i1
      %add3A_194 = arith.addi %rem3A, %select_n3A : i32
      %select_n3A_195 = arith.select %and3A, %add3A_194, %rem3A : i32
      %mul3A_196 = arith.constant 32 : i32
      %mul3A_197 = arith.muli %scan3A_171, %mul3A_196 : i32
      %add3A_198 = arith.addi %mul3A_2, %mul3A_197 : i32
      %dma_start3A_199 = arith.constant 0 : i32
      %dma_start3A_200 = arith.constant 0 : i32
      %dma_start3A_201 = tpu.memref_slice %arg6[%select_n3A_195, %dma_start3A_199, %dma_start3A_200] : memref<3x32x1024xf32, #tpu.memory_space<vmem>> -> memref<1x32x1024xf32, #tpu.memory_space<vmem>>
      %dma_start3A_202 = tpu.memref_squeeze %dma_start3A_201 : memref<1x32x1024xf32, #tpu.memory_space<vmem>> -> memref<32x1024xf32, #tpu.memory_space<vmem>>
      %dma_start3A_203 = arith.constant 0 : i32
      %dma_start3A_204 = tpu.memref_slice %arg4[%add3A_198, %dma_start3A_203] : memref<32768x1024xf32, #tpu.memory_space<hbm>> -> memref<32x1024xf32, #tpu.memory_space<hbm>>
      %dma_start3A_205 = arith.constant 0 : i32
      %dma_start3A_206 = tpu.memref_slice %arg4[%add3A_198, %dma_start3A_205] : memref<32768x1024xf32, #tpu.memory_space<hbm>> -> memref<32x1024xf32, #tpu.memory_space<hbm>>
      %dma_start3A_207 = arith.constant 0 : i32
      %dma_start3A_208 = arith.constant 0 : i32
      %dma_start3A_209 = tpu.memref_slice %arg6[%select_n3A_195, %dma_start3A_207, %dma_start3A_208] : memref<3x32x1024xf32, #tpu.memory_space<vmem>> -> memref<1x32x1024xf32, #tpu.memory_space<vmem>>
      %dma_start3A_210 = tpu.memref_squeeze %dma_start3A_209 : memref<1x32x1024xf32, #tpu.memory_space<vmem>> -> memref<32x1024xf32, #tpu.memory_space<vmem>>
      tpu.enqueue_dma source(%dma_start3A_210 : memref<32x1024xf32, #tpu.memory_space<vmem>>) target(%dma_start3A_206 : memref<32x1024xf32, #tpu.memory_space<hbm>>) target_semaphore(%arg8 : memref<!tpu.dma_semaphore, #tpu.memory_space<semaphore_mem>>)
      %dma_wait3A_211 = arith.constant 0 : i32
      %dma_wait3A_212 = arith.constant 0 : i32
      %dma_wait3A_213 = arith.constant 0 : i32
      %dma_wait3A_214 = tpu.memref_slice %arg6[%dma_wait3A_211, %dma_wait3A_212, %dma_wait3A_213] : memref<3x32x1024xf32, #tpu.memory_space<vmem>> -> memref<1x32x1024xf32, #tpu.memory_space<vmem>>
      %dma_wait3A_215 = tpu.memref_squeeze %dma_wait3A_214 : memref<1x32x1024xf32, #tpu.memory_space<vmem>> -> memref<32x1024xf32, #tpu.memory_space<vmem>>
      %dma_wait3A_216 = arith.constant 0 : i32
      %dma_wait3A_217 = tpu.memref_slice %arg4[%mul3A_2, %dma_wait3A_216] : memref<32768x1024xf32, #tpu.memory_space<hbm>> -> memref<32x1024xf32, #tpu.memory_space<hbm>>
      %dma_wait3A_218 = arith.constant 0 : i32
      %dma_wait3A_219 = tpu.memref_slice %arg4[%mul3A_2, %dma_wait3A_218] : memref<32768x1024xf32, #tpu.memory_space<hbm>> -> memref<32x1024xf32, #tpu.memory_space<hbm>>
      %dma_wait3A_220 = arith.constant 0 : i32
      %dma_wait3A_221 = arith.constant 0 : i32
      %dma_wait3A_222 = tpu.memref_slice %arg6[%dma_wait3A_211, %dma_wait3A_220, %dma_wait3A_221] : memref<3x32x1024xf32, #tpu.memory_space<vmem>> -> memref<1x32x1024xf32, #tpu.memory_space<vmem>>
      %dma_wait3A_223 = tpu.memref_squeeze %dma_wait3A_222 : memref<1x32x1024xf32, #tpu.memory_space<vmem>> -> memref<32x1024xf32, #tpu.memory_space<vmem>>
      tpu.wait_dma2 semaphore(%arg8 : memref<!tpu.dma_semaphore, #tpu.memory_space<semaphore_mem>>) src(%dma_wait3A_223 : memref<32x1024xf32, #tpu.memory_space<vmem>>) dst(%dma_wait3A_219 : memref<32x1024xf32, #tpu.memory_space<hbm>>)
      %add3A_224 = arith.constant 3 : i32
      %add3A_225 = arith.addi %scan3A_171, %add3A_224 : i32
      %sub3A = arith.constant 1 : i32
      %sub3A_226 = arith.subi %add3A_225, %sub3A : i32
      %jit3A_227 = arith.constant 3 : i32
      %eq3A_228 = arith.constant 0 : i32
      %eq3A_229 = arith.cmpi eq, %jit3A_227, %eq3A_228 : i32
      %jit3A_230 = arith.constant 1 : i32
      %select_n3A_231 = arith.select %eq3A_229, %jit3A_230, %jit3A_227 : i32
      %rem3A_232 = arith.remsi %sub3A_226, %select_n3A_231 : i32
      %ne3A_233 = arith.constant 0 : i32
      %ne3A_234 = arith.cmpi ne, %rem3A_232, %ne3A_233 : i32
      %lt3A_235 = arith.constant 0 : i32
      %lt3A_236 = arith.cmpi slt, %rem3A_232, %lt3A_235 : i32
      %lt3A_237 = arith.constant 0 : i32
      %lt3A_238 = arith.cmpi slt, %select_n3A_231, %lt3A_237 : i32
      %ne3A_239 = arith.xori %lt3A_236, %lt3A_238 : i1
      %and3A_240 = arith.andi %ne3A_239, %ne3A_234 : i1
      %add3A_241 = arith.addi %rem3A_232, %select_n3A_231 : i32
      %select_n3A_242 = arith.select %and3A_240, %add3A_241, %rem3A_232 : i32
      %dma_start3A_243 = arith.constant 0 : i32
      %dma_start3A_244 = arith.constant 0 : i32
      %dma_start3A_245 = tpu.memref_slice %arg6[%select_n3A_242, %dma_start3A_243, %dma_start3A_244] : memref<3x32x1024xf32, #tpu.memory_space<vmem>> -> memref<1x32x1024xf32, #tpu.memory_space<vmem>>
      %dma_start3A_246 = tpu.memref_squeeze %dma_start3A_245 : memref<1x32x1024xf32, #tpu.memory_space<vmem>> -> memref<32x1024xf32, #tpu.memory_space<vmem>>
      %dma_start3A_247 = arith.constant 0 : i32
      %dma_start3A_248 = tpu.memref_slice %arg5[%sub3A_226, %dma_start3A_247] : memref<32x32xi32, #tpu.memory_space<vmem>> -> memref<1x32xi32, #tpu.memory_space<vmem>>
      %dma_start3A_249 = tpu.memref_squeeze %dma_start3A_248 : memref<1x32xi32, #tpu.memory_space<vmem>> -> memref<32xi32, #tpu.memory_space<vmem>>
      %dma_start3A_250 = arith.constant 0 : i32
      %dma_start3A_251 = arith.constant 0 : i32
      %dma_start3A_252 = tpu.memref_slice %arg3[%dma_start3A_250, %dma_start3A_251] : memref<8192x1024xf32, #tpu.memory_space<hbm>> -> memref<8192x1024xf32, #tpu.memory_space<hbm>>
      tpu.enqueue_indirect_dma source(%dma_start3A_252 : memref<8192x1024xf32, #tpu.memory_space<hbm>>) target(%dma_start3A_246 : memref<32x1024xf32, #tpu.memory_space<vmem>>) offsets(%dma_start3A_249 : memref<32xi32, #tpu.memory_space<vmem>>) semaphore(%arg7 : memref<!tpu.dma_semaphore, #tpu.memory_space<semaphore_mem>>)
    }
    %scan3A_71 = arith.constant 29 : i32
    %dma_wait3A_72 = arith.constant 0 : i32
    %dma_wait3A_73 = arith.constant 0 : i32
    %dma_wait3A_74 = arith.constant 0 : i32
    %dma_wait3A_75 = tpu.memref_slice %arg6[%dma_wait3A_72, %dma_wait3A_73, %dma_wait3A_74] : memref<3x32x1024xf32, #tpu.memory_space<vmem>> -> memref<1x32x1024xf32, #tpu.memory_space<vmem>>
    %dma_wait3A_76 = tpu.memref_squeeze %dma_wait3A_75 : memref<1x32x1024xf32, #tpu.memory_space<vmem>> -> memref<32x1024xf32, #tpu.memory_space<vmem>>
    %dma_wait3A_77 = arith.constant 0 : i32
    %dma_wait3A_78 = arith.constant 0 : i32
    %dma_wait3A_79 = tpu.memref_slice %arg3[%dma_wait3A_77, %dma_wait3A_78] : memref<8192x1024xf32, #tpu.memory_space<hbm>> -> memref<32x1024xf32, #tpu.memory_space<hbm>>
    %dma_wait3A_80 = arith.constant 0 : i32
    %dma_wait3A_81 = arith.constant 0 : i32
    %dma_wait3A_82 = tpu.memref_slice %arg6[%dma_wait3A_72, %dma_wait3A_80, %dma_wait3A_81] : memref<3x32x1024xf32, #tpu.memory_space<vmem>> -> memref<1x32x1024xf32, #tpu.memory_space<vmem>>
    %dma_wait3A_83 = tpu.memref_squeeze %dma_wait3A_82 : memref<1x32x1024xf32, #tpu.memory_space<vmem>> -> memref<32x1024xf32, #tpu.memory_space<vmem>>
    %dma_wait3A_84 = arith.constant 0 : i32
    %dma_wait3A_85 = arith.constant 0 : i32
    %dma_wait3A_86 = tpu.memref_slice %arg3[%dma_wait3A_84, %dma_wait3A_85] : memref<8192x1024xf32, #tpu.memory_space<hbm>> -> memref<32x1024xf32, #tpu.memory_space<hbm>>
    tpu.wait_dma2 semaphore(%arg7 : memref<!tpu.dma_semaphore, #tpu.memory_space<semaphore_mem>>) src(%dma_wait3A_86 : memref<32x1024xf32, #tpu.memory_space<hbm>>) dst(%dma_wait3A_83 : memref<32x1024xf32, #tpu.memory_space<vmem>>)
    %add3A_87 = arith.constant 960 : i32
    %add3A_88 = arith.addi %mul3A_2, %add3A_87 : i32
    %dma_start3A_89 = arith.constant 0 : i32
    %dma_start3A_90 = arith.constant 0 : i32
    %dma_start3A_91 = arith.constant 0 : i32
    %dma_start3A_92 = tpu.memref_slice %arg6[%dma_start3A_89, %dma_start3A_90, %dma_start3A_91] : memref<3x32x1024xf32, #tpu.memory_space<vmem>> -> memref<1x32x1024xf32, #tpu.memory_space<vmem>>
    %dma_start3A_93 = tpu.memref_squeeze %dma_start3A_92 : memref<1x32x1024xf32, #tpu.memory_space<vmem>> -> memref<32x1024xf32, #tpu.memory_space<vmem>>
    %dma_start3A_94 = arith.constant 0 : i32
    %dma_start3A_95 = tpu.memref_slice %arg4[%add3A_88, %dma_start3A_94] : memref<32768x1024xf32, #tpu.memory_space<hbm>> -> memref<32x1024xf32, #tpu.memory_space<hbm>>
    %dma_start3A_96 = arith.constant 0 : i32
    %dma_start3A_97 = tpu.memref_slice %arg4[%add3A_88, %dma_start3A_96] : memref<32768x1024xf32, #tpu.memory_space<hbm>> -> memref<32x1024xf32, #tpu.memory_space<hbm>>
    %dma_start3A_98 = arith.constant 0 : i32
    %dma_start3A_99 = arith.constant 0 : i32
    %dma_start3A_100 = tpu.memref_slice %arg6[%dma_start3A_89, %dma_start3A_98, %dma_start3A_99] : memref<3x32x1024xf32, #tpu.memory_space<vmem>> -> memref<1x32x1024xf32, #tpu.memory_space<vmem>>
    %dma_start3A_101 = tpu.memref_squeeze %dma_start3A_100 : memref<1x32x1024xf32, #tpu.memory_space<vmem>> -> memref<32x1024xf32, #tpu.memory_space<vmem>>
    tpu.enqueue_dma source(%dma_start3A_101 : memref<32x1024xf32, #tpu.memory_space<vmem>>) target(%dma_start3A_97 : memref<32x1024xf32, #tpu.memory_space<hbm>>) target_semaphore(%arg8 : memref<!tpu.dma_semaphore, #tpu.memory_space<semaphore_mem>>)
    %dma_wait3A_102 = arith.constant 0 : i32
    %dma_wait3A_103 = arith.constant 0 : i32
    %dma_wait3A_104 = arith.constant 0 : i32
    %dma_wait3A_105 = tpu.memref_slice %arg6[%dma_wait3A_102, %dma_wait3A_103, %dma_wait3A_104] : memref<3x32x1024xf32, #tpu.memory_space<vmem>> -> memref<1x32x1024xf32, #tpu.memory_space<vmem>>
    %dma_wait3A_106 = tpu.memref_squeeze %dma_wait3A_105 : memref<1x32x1024xf32, #tpu.memory_space<vmem>> -> memref<32x1024xf32, #tpu.memory_space<vmem>>
    %dma_wait3A_107 = arith.constant 0 : i32
    %dma_wait3A_108 = arith.constant 0 : i32
    %dma_wait3A_109 = tpu.memref_slice %arg3[%dma_wait3A_107, %dma_wait3A_108] : memref<8192x1024xf32, #tpu.memory_space<hbm>> -> memref<32x1024xf32, #tpu.memory_space<hbm>>
    %dma_wait3A_110 = arith.constant 0 : i32
    %dma_wait3A_111 = arith.constant 0 : i32
    %dma_wait3A_112 = tpu.memref_slice %arg6[%dma_wait3A_102, %dma_wait3A_110, %dma_wait3A_111] : memref<3x32x1024xf32, #tpu.memory_space<vmem>> -> memref<1x32x1024xf32, #tpu.memory_space<vmem>>
    %dma_wait3A_113 = tpu.memref_squeeze %dma_wait3A_112 : memref<1x32x1024xf32, #tpu.memory_space<vmem>> -> memref<32x1024xf32, #tpu.memory_space<vmem>>
    %dma_wait3A_114 = arith.constant 0 : i32
    %dma_wait3A_115 = arith.constant 0 : i32
    %dma_wait3A_116 = tpu.memref_slice %arg3[%dma_wait3A_114, %dma_wait3A_115] : memref<8192x1024xf32, #tpu.memory_space<hbm>> -> memref<32x1024xf32, #tpu.memory_space<hbm>>
    tpu.wait_dma2 semaphore(%arg7 : memref<!tpu.dma_semaphore, #tpu.memory_space<semaphore_mem>>) src(%dma_wait3A_116 : memref<32x1024xf32, #tpu.memory_space<hbm>>) dst(%dma_wait3A_113 : memref<32x1024xf32, #tpu.memory_space<vmem>>)
    %add3A_117 = arith.constant 992 : i32
    %add3A_118 = arith.addi %mul3A_2, %add3A_117 : i32
    %dma_start3A_119 = arith.constant 1 : i32
    %dma_start3A_120 = arith.constant 0 : i32
    %dma_start3A_121 = arith.constant 0 : i32
    %dma_start3A_122 = tpu.memref_slice %arg6[%dma_start3A_119, %dma_start3A_120, %dma_start3A_121] : memref<3x32x1024xf32, #tpu.memory_space<vmem>> -> memref<1x32x1024xf32, #tpu.memory_space<vmem>>
    %dma_start3A_123 = tpu.memref_squeeze %dma_start3A_122 : memref<1x32x1024xf32, #tpu.memory_space<vmem>> -> memref<32x1024xf32, #tpu.memory_space<vmem>>
    %dma_start3A_124 = arith.constant 0 : i32
    %dma_start3A_125 = tpu.memref_slice %arg4[%add3A_118, %dma_start3A_124] : memref<32768x1024xf32, #tpu.memory_space<hbm>> -> memref<32x1024xf32, #tpu.memory_space<hbm>>
    %dma_start3A_126 = arith.constant 0 : i32
    %dma_start3A_127 = tpu.memref_slice %arg4[%add3A_118, %dma_start3A_126] : memref<32768x1024xf32, #tpu.memory_space<hbm>> -> memref<32x1024xf32, #tpu.memory_space<hbm>>
    %dma_start3A_128 = arith.constant 0 : i32
    %dma_start3A_129 = arith.constant 0 : i32
    %dma_start3A_130 = tpu.memref_slice %arg6[%dma_start3A_119, %dma_start3A_128, %dma_start3A_129] : memref<3x32x1024xf32, #tpu.memory_space<vmem>> -> memref<1x32x1024xf32, #tpu.memory_space<vmem>>
    %dma_start3A_131 = tpu.memref_squeeze %dma_start3A_130 : memref<1x32x1024xf32, #tpu.memory_space<vmem>> -> memref<32x1024xf32, #tpu.memory_space<vmem>>
    tpu.enqueue_dma source(%dma_start3A_131 : memref<32x1024xf32, #tpu.memory_space<vmem>>) target(%dma_start3A_127 : memref<32x1024xf32, #tpu.memory_space<hbm>>) target_semaphore(%arg8 : memref<!tpu.dma_semaphore, #tpu.memory_space<semaphore_mem>>)
    %dma_wait3A_132 = arith.constant 0 : i32
    %dma_wait3A_133 = arith.constant 0 : i32
    %dma_wait3A_134 = arith.constant 0 : i32
    %dma_wait3A_135 = tpu.memref_slice %arg6[%dma_wait3A_132, %dma_wait3A_133, %dma_wait3A_134] : memref<3x32x1024xf32, #tpu.memory_space<vmem>> -> memref<1x32x1024xf32, #tpu.memory_space<vmem>>
    %dma_wait3A_136 = tpu.memref_squeeze %dma_wait3A_135 : memref<1x32x1024xf32, #tpu.memory_space<vmem>> -> memref<32x1024xf32, #tpu.memory_space<vmem>>
    %dma_wait3A_137 = arith.constant 0 : i32
    %dma_wait3A_138 = tpu.memref_slice %arg4[%mul3A_2, %dma_wait3A_137] : memref<32768x1024xf32, #tpu.memory_space<hbm>> -> memref<32x1024xf32, #tpu.memory_space<hbm>>
    %dma_wait3A_139 = arith.constant 0 : i32
    %dma_wait3A_140 = tpu.memref_slice %arg4[%mul3A_2, %dma_wait3A_139] : memref<32768x1024xf32, #tpu.memory_space<hbm>> -> memref<32x1024xf32, #tpu.memory_space<hbm>>
    %dma_wait3A_141 = arith.constant 0 : i32
    %dma_wait3A_142 = arith.constant 0 : i32
    %dma_wait3A_143 = tpu.memref_slice %arg6[%dma_wait3A_132, %dma_wait3A_141, %dma_wait3A_142] : memref<3x32x1024xf32, #tpu.memory_space<vmem>> -> memref<1x32x1024xf32, #tpu.memory_space<vmem>>
    %dma_wait3A_144 = tpu.memref_squeeze %dma_wait3A_143 : memref<1x32x1024xf32, #tpu.memory_space<vmem>> -> memref<32x1024xf32, #tpu.memory_space<vmem>>
    tpu.wait_dma2 semaphore(%arg8 : memref<!tpu.dma_semaphore, #tpu.memory_space<semaphore_mem>>) src(%dma_wait3A_144 : memref<32x1024xf32, #tpu.memory_space<vmem>>) dst(%dma_wait3A_140 : memref<32x1024xf32, #tpu.memory_space<hbm>>)
    %dma_wait3A_145 = arith.constant 0 : i32
    %dma_wait3A_146 = arith.constant 0 : i32
    %dma_wait3A_147 = arith.constant 0 : i32
    %dma_wait3A_148 = tpu.memref_slice %arg6[%dma_wait3A_145, %dma_wait3A_146, %dma_wait3A_147] : memref<3x32x1024xf32, #tpu.memory_space<vmem>> -> memref<1x32x1024xf32, #tpu.memory_space<vmem>>
    %dma_wait3A_149 = tpu.memref_squeeze %dma_wait3A_148 : memref<1x32x1024xf32, #tpu.memory_space<vmem>> -> memref<32x1024xf32, #tpu.memory_space<vmem>>
    %dma_wait3A_150 = arith.constant 0 : i32
    %dma_wait3A_151 = tpu.memref_slice %arg4[%mul3A_2, %dma_wait3A_150] : memref<32768x1024xf32, #tpu.memory_space<hbm>> -> memref<32x1024xf32, #tpu.memory_space<hbm>>
    %dma_wait3A_152 = arith.constant 0 : i32
    %dma_wait3A_153 = tpu.memref_slice %arg4[%mul3A_2, %dma_wait3A_152] : memref<32768x1024xf32, #tpu.memory_space<hbm>> -> memref<32x1024xf32, #tpu.memory_space<hbm>>
    %dma_wait3A_154 = arith.constant 0 : i32
    %dma_wait3A_155 = arith.constant 0 : i32
    %dma_wait3A_156 = tpu.memref_slice %arg6[%dma_wait3A_145, %dma_wait3A_154, %dma_wait3A_155] : memref<3x32x1024xf32, #tpu.memory_space<vmem>> -> memref<1x32x1024xf32, #tpu.memory_space<vmem>>
    %dma_wait3A_157 = tpu.memref_squeeze %dma_wait3A_156 : memref<1x32x1024xf32, #tpu.memory_space<vmem>> -> memref<32x1024xf32, #tpu.memory_space<vmem>>
    tpu.wait_dma2 semaphore(%arg8 : memref<!tpu.dma_semaphore, #tpu.memory_space<semaphore_mem>>) src(%dma_wait3A_157 : memref<32x1024xf32, #tpu.memory_space<vmem>>) dst(%dma_wait3A_153 : memref<32x1024xf32, #tpu.memory_space<hbm>>)
    %dma_wait3A_158 = arith.constant 0 : i32
    %dma_wait3A_159 = arith.constant 0 : i32
    %dma_wait3A_160 = arith.constant 0 : i32
    %dma_wait3A_161 = tpu.memref_slice %arg6[%dma_wait3A_158, %dma_wait3A_159, %dma_wait3A_160] : memref<3x32x1024xf32, #tpu.memory_space<vmem>> -> memref<1x32x1024xf32, #tpu.memory_space<vmem>>
    %dma_wait3A_162 = tpu.memref_squeeze %dma_wait3A_161 : memref<1x32x1024xf32, #tpu.memory_space<vmem>> -> memref<32x1024xf32, #tpu.memory_space<vmem>>
    %dma_wait3A_163 = arith.constant 0 : i32
    %dma_wait3A_164 = tpu.memref_slice %arg4[%mul3A_2, %dma_wait3A_163] : memref<32768x1024xf32, #tpu.memory_space<hbm>> -> memref<32x1024xf32, #tpu.memory_space<hbm>>
    %dma_wait3A_165 = arith.constant 0 : i32
    %dma_wait3A_166 = tpu.memref_slice %arg4[%mul3A_2, %dma_wait3A_165] : memref<32768x1024xf32, #tpu.memory_space<hbm>> -> memref<32x1024xf32, #tpu.memory_space<hbm>>
    %dma_wait3A_167 = arith.constant 0 : i32
    %dma_wait3A_168 = arith.constant 0 : i32
    %dma_wait3A_169 = tpu.memref_slice %arg6[%dma_wait3A_158, %dma_wait3A_167, %dma_wait3A_168] : memref<3x32x1024xf32, #tpu.memory_space<vmem>> -> memref<1x32x1024xf32, #tpu.memory_space<vmem>>
    %dma_wait3A_170 = tpu.memref_squeeze %dma_wait3A_169 : memref<1x32x1024xf32, #tpu.memory_space<vmem>> -> memref<32x1024xf32, #tpu.memory_space<vmem>>
    tpu.wait_dma2 semaphore(%arg8 : memref<!tpu.dma_semaphore, #tpu.memory_space<semaphore_mem>>) src(%dma_wait3A_170 : memref<32x1024xf32, #tpu.memory_space<vmem>>) dst(%dma_wait3A_166 : memref<32x1024xf32, #tpu.memory_space<hbm>>)
    return
  }
}

</mosaic_0001>

<sc_bundles>
// kernel: kernel.3.cloned.1.call-start
scs
__scs_entry_jumppad:
0x0: {  	(pc) =	sbr.rel $0x88, $3  }
0x1: {  	(tag) =	ssettag $0x0;
	lr =	simm.s32 $0x1  }
0x2: {  	[smem:$0x3F9F] =	sst lr;
	_ =	strace $0xD0000000  }
0x3: {  	_ = 	snop  }
0x4: {  	_ = 	snop  }
0x5: {  	_ = 	snop  }
0x6: {  	_ = 	snop  }
0x7: {  	_ = 	snop  }
__scs_overlays_trampoline_lowered:
0x8: {  	[smem:$0x3FAE] =	sst s0  }
0x9: {  	[smem:$0x3FAF] =	sst s1  }
0xa: {  	[smem:$0x3FB0] =	sst s2  }
0xb: {  	[smem:$0x3FB1] =	sst s3  }
0xc: {  	[smem:$0x3FB2] =	sst s4  }
0xd: {  	[smem:$0x3FB3] =	sst s5  }
0xe: {  	[smem:$0x3FB4] =	sst s6  }
0xf: {  	[smem:$0x3FB5] =	sst s7  }
0x10: {  	[smem:$0x3FB6] =	sst s8  }
0x11: {  	[smem:$0x3FB7] =	sst s9;
	s0 =	simm.s32 @!p0 $0x0  }
0x12: {  	s1 =	sld [smem:$0x3F9D];
	s0 =	simm.s32 @p0 $0x1  }
0x13: {  	[smem:$0x3FB8] =	sst s0;
	s0 =	simm.s32 @!p1 $0x0  }
0x14: {  	s2 =	sld [smem:$0x3F9C];
	s0 =	simm.s32 @p1 $0x1  }
0x15: {  	[smem:$0x3FB9] =	sst s0;
	s0 =	simm.s32 @!p2 $0x0  }
0x16: {  	s3 =	sld [smem:$0x3FDB];
	s0 =	simm.s32 @p2 $0x1  }
0x17: {  	s4 =	simm.s32 $0x1BF5;
	[smem:$0x3FBB] =	sst s0  }
0x18: {  	s0 =	sld [smem:$0x3F9E];
	_ =	swait.ge [sflag:s4], $0x0  }
0x19: {  	s7 =	sld [smem:$0x3F9F]  }
0x1a: {  	s8 =	sadd.s32 $0xFFFFE003, lr  }
0x1b: {  	s9 =	sadd.s32 $0xFFFFFEF7, lr;
	s5 =	simm.s32 $0xFFFFFFFF;
	p2 =	slt.u32 s8, $0xFFFFF086  }
0x1c: {  	p1 =	slt.u32 s9, $0xF7A;
	s5 =	simm.s32 @!p2 $0x0  }
0x1d: {  	s5 =	simm.s32 @p1 $0x1;
	p0 =	seq.s32 s7, s2  }
0x1e: {  	s7 =	smul.u32 @!p0 $0xF7A, s2;
	p2 =	seq.s32 @!p0 s5, $0x0  }
0x1f: {  	s9 =	smul.u32 $0xF7A, s1;
	s8 =	simm.s32 @!p0 $0x1BF5;
	p2 =	por !p2, p0  }
0x20: {  	[sflag:s8] =	ssyncset.s32 @!p0 $0xFFFFF086;
	s6 =	sadd.s32 @!p0 s3, s7;
	s7 =	simm.s32 @!p0 $0x108  }
0x21: {  	s3 =	sadd.s32 s3, s9;
	s6 =	sadd.s32 @!p0 $0x88, s6;
	s7 =	simm.s32 @p2 $0x1082  }
0x22: {  	[simem:s7], [sflag:s8] =	dma.local @!p0 [hbm:s6], $0xF7A  }
0x23: {  	s9 =	sor.u32 $0xD0000000, s2;
	s6 =	simm.s32 $0x108;
	_ =	swait.ge @!p0 [sflag:s8], $0x0  }
0x24: {  	s3 =	sadd.s32 $0x88, s3;
	s6 =	simm.s32 @!p1 $0x1082;
	[sflag:s4] =	ssyncset.s32 $0xFFFFF086  }
0x25: {  	[simem:s6], [sflag:s4] =	dma.local [hbm:s3], $0xF7A  }
0x26: {  	[smem:$0x3F9F] =	sst s1;
	(tag) =	ssettag s2;
	_ =	strace s9  }
0x27: {  	s1 =	sld [smem:$0x3FAF]  }
0x28: {  	s2 =	sld [smem:$0x3FB0]  }
0x29: {  	s4 =	sld [smem:$0x3FB2]  }
0x2a: {  	p0 =	seq.s32 s5, $0x0;
	s5 =	sld [smem:$0x3FB3]  }
0x2b: {  	s6 =	sld [smem:$0x3FB4]  }
0x2c: {  	s7 =	sld [smem:$0x3FB5]  }
0x2d: {  	s3 =	simm.s32 $0x108;
	s8 =	sld [smem:$0x3FB6]  }
0x2e: {  	s3 =	simm.s32 @!p0 $0x1082;
	s9 =	sld [smem:$0x3FB7]  }
0x2f: {  	lr =	sadd.s32 s0, s3;
	s0 =	sld [smem:$0x3FAE]  }
0x30: {  	s3 =	sld [smem:$0x3FB1]  }
0x31: {  	[smem:$0x3FBA] =	sst s10  }
0x32: {  	s10 =	sld [smem:$0x3FB8];
	_ =	sdelay $0x3  }
0x33: {  	p0 =	seq.s32 s10, $0x1;
	s10 =	sld [smem:$0x3FBA];
	_ =	sdelay $0x3  }
0x34: {  	[smem:$0x3FBA] =	sst s10  }
0x35: {  	s10 =	sld [smem:$0x3FB9];
	_ =	sdelay $0x3  }
0x36: {  	p1 =	seq.s32 s10, $0x1;
	s10 =	sld [smem:$0x3FBA];
	_ =	sdelay $0x3  }
0x37: {  	[smem:$0x3FBA] =	sst s10  }
0x38: {  	s10 =	sld [smem:$0x3FBB]  }
0x39: {  	_ = 	snop;
	(pc) =	sbr.ind lr, $3  }
0x3a: {  	_ = 	snop  }
0x3b: {  	_ = 	snop  }
0x3c: {  	p2 =	seq.s32 s10, $0x1;
	s10 =	sld [smem:$0x3FBA]  }
0x3d: {  	_ =	shalt  }
0x3e: {  	_ =	shalt  }
0x3f: {  	_ =	shalt  }
0x40: {  	_ =	shalt  }
0x41: {  	_ =	shalt  }
0x42: {  	_ =	shalt  }
0x43: {  	_ =	shalt  }
0x44: {  	_ =	shalt  }
0x45: {  	_ =	shalt  }
0x46: {  	_ =	shalt  }
0x47: {  	_ =	shalt  }
0x48: {  	_ =	shalt  }
0x49: {  	_ =	shalt  }
0x4a: {  	_ =	shalt  }
0x4b: {  	_ =	shalt  }
0x4c: {  	_ =	shalt  }
0x4d: {  	_ =	shalt  }
0x4e: {  	_ =	shalt  }
0x4f: {  	_ =	shalt  }
0x50: {  	_ =	shalt  }
0x51: {  	_ =	shalt  }
0x52: {  	_ =	shalt  }
0x53: {  	_ =	shalt  }
0x54: {  	_ =	shalt  }
0x55: {  	_ =	shalt  }
0x56: {  	_ =	shalt  }
0x57: {  	_ =	shalt  }
0x58: {  	_ =	shalt  }
0x59: {  	_ =	shalt  }
0x5a: {  	_ =	shalt  }
0x5b: {  	_ =	shalt  }
0x5c: {  	_ =	shalt  }
0x5d: {  	_ =	shalt  }
0x5e: {  	_ =	shalt  }
0x5f: {  	_ =	shalt  }
0x60: {  	_ =	shalt  }
0x61: {  	_ =	shalt  }
0x62: {  	_ =	shalt  }
0x63: {  	_ =	shalt  }
0x64: {  	_ =	shalt  }
0x65: {  	_ =	shalt  }
0x66: {  	_ =	shalt  }
0x67: {  	_ =	shalt  }
0x68: {  	_ =	shalt  }
0x69: {  	_ =	shalt  }
0x6a: {  	_ =	shalt  }
0x6b: {  	_ =	shalt  }
0x6c: {  	_ =	shalt  }
0x6d: {  	_ =	shalt  }
0x6e: {  	_ =	shalt  }
0x6f: {  	_ =	shalt  }
0x70: {  	_ =	shalt  }
0x71: {  	_ =	shalt  }
0x72: {  	_ =	shalt  }
0x73: {  	_ =	shalt  }
0x74: {  	_ =	shalt  }
0x75: {  	_ =	shalt  }
0x76: {  	_ =	shalt  }
0x77: {  	_ =	shalt  }
0x78: {  	_ =	shalt  }
0x79: {  	_ =	shalt  }
0x7a: {  	_ =	shalt  }
0x7b: {  	_ =	shalt  }
0x7c: {  	_ =	shalt  }
0x7d: {  	_ =	shalt  }
0x7e: {  	_ =	shalt  }
0x7f: {  	_ =	shalt  }
0x80: {  	_ =	shalt  }
0x81: {  	_ =	shalt  }
0x82: {  	_ =	shalt  }
0x83: {  	_ =	shalt  }
0x84: {  	_ =	shalt  }
0x85: {  	_ =	shalt  }
0x86: {  	_ =	shalt  }
0x87: {  	_ =	shalt  }
.Lfunc_end0:
.L_simem_size_0:
called_computation_lowered:
.L_overlay_start_0:
0x88: {  	s2 =	sld [smem:$0x3FD9]  }
0x89: {  	s3 =	sld [smem:$0x3FFE];
	_ =	sdelay $0x1  }
0x8a: {  	s1 =	srdreg.scid  }
0x8b: {  	s0 =	sand.u32 $0x1, s1  }
0x8c: {  	s17 =	sshll.u32 s0, $0xA;
	s2 =	sadd.s32 s3, s2  }
0x8d: {  	s2 =	sadd.s32 s2, s17  }
0x8e: {  	[smem:$0x3FC6] =	sst s2  }
0x8f: {  	_ = 	snop  }
0x90: {  	s2 =	sld [smem:$0x3FC8]  }
0x91: {  	s18 =	sld [smem:$0x3FD0];
	(tm) =	ssettm $0x1  }
0x92: {  	s4 =	sld [smem:$0x3FFB];
	_ =	sdelay $0x3  }
0x93: {  	_ =	strace s4  }
0x94: {  	s4 =	sld [smem:$0x3FFC];
	_ =	sdelay $0x3  }
0x95: {  	_ =	strace s4  }
0x96: {  	s4 =	sld [smem:$0x3FFD];
	_ =	sdelay $0x3  }
0x97: {  	_ =	strace s4  }
0x98: {  	_ =	strace $0x8FFFFFFF  }
0x99: {  	s19 =	sld [smem:$0x3FDB];
	_ =	sdelay $0x1  }
0x9a: {  	s5 =	simm.s32 $_scs_section_size  }
0x9b: {  	s6 =	simm.s32 $_size__tile_overlayer_lowered;
	s7 =	simm.s32 $_tile_overlayer_lowered  }
0x9c: {  	s22 =	simm.s32 $0x1BFF;
	s21 =	sshll.u32 s7, $0x1;
	s4 =	sadd.s32 s5, s19  }
0x9d: {  	s8 =	simm.s32 $0x0;
	s20 =	sshll.u32 s6, $0x1;
	s6 =	sadd.s32 s21, s4  }
0x9e: {  	[timem:s8], [sflag:s22] =	dma.local [hbm:s6], s20  }
0x9f: {  	_ =	swait.ge [sflag:s22], s20  }
0xa0: {  	s5 =	ssub.s32 $0x0, s20;
	[sflag:s22] =	ssyncset.done $0x0  }
0xa1: {  	[sflag:s22] =	ssyncadd.s32 s5;
	_ =	sdelay $0x1  }
0xa2: {  	s23 =	simm.s32 $0x1B8B  }
0xa3: {  	_ =	swait.ge [sflag:s23], $0x1  }
0xa4: {  	[sflag:s23] =	ssyncset.done $0x0  }
0xa5: {  	s25 =	simm.s32 $0x1B8E;
	s24 =	sld [smem:$0x3FFE];
	[sflag:s23] =	ssyncadd.s32 $0xFFFFFFFF  }
0xa6: {  	s26 =	simm.s32 $execute0_lowered;
	[smem:$0x3FD2] =	sst s25  }
0xa7: {  	s6 =	sshll.u32 s26, $0x1;
	_ =	strace $0x80000046;
	[dreg:$0x1] =	wrdreg $0xFFFFFFFF  }
0xa8: {  	s28 =	simm.s32 $_size_execute0_lowered;
	s4 =	sadd.s32 s4, s6;
	[dreg:$0x0] =	wrdreg $0x0  }
0xa9: {  	s6 =	sshll.u32 s28, $0x1;
	[dreg:$0x2] =	wrdreg s4  }
0xaa: {  	[dreg:$0x3] =	wrdreg s6  }
0xab: {  	[dreg:$0x4] =	wrdreg $0xC0  }
0xac: {  	_ =	task [dreg:s8], $0x5FFFF  }
0xad: {  	[dreg:$0x1] =	wrdreg $0xFFFFFFFF  }
0xae: {  	[dreg:$0x0] =	wrdreg $0x60  }
0xaf: {  	[dreg:$0x2] =	wrdreg s24  }
0xb0: {  	[dreg:$0x3] =	wrdreg s2  }
0xb1: {  	[dreg:$0x4] =	wrdreg s18  }
0xb2: {  	[dreg:$0x5] =	wrdreg $0x9  }
0xb3: {  	_ =	task.clear_ibuf [dreg:s8], $0x6FFFF;
	_ =	strace $0x90000046  }
0xb4: {  	s29 =	simm.s32 $0x9;
	_ =	strace $0x80000048  }
0xb5: {  	_ =	swait.ge [sflag:s29], $0x1  }
0xb6: {  	[sflag:s29] =	ssyncadd.s32 $0xFFFFFFFF  }
0xb7: {  	_ =	strace $0x90000048  }
0xb8: {  	_ =	sfence  }
0xb9: {  	s30 =	sld [smem:$0x0];
	_ =	sdelay $0x2  }
0xba: {  	s31 =	sshll.u32 s1, $0xD;
	s1 =	sshrl.u32 s1, $0x2  }
0xbb: {  	s3 =	sand.u32 $0x4000, s31;
	s1 =	sadd.s32 s1, s30  }
0xbc: {  	s0 =	sor.u32 s3, s0;
	s1 =	sshll.u32 s1, $0x11  }
0xbd: {  	s0 =	sor.u32 s1, s0  }
0xbe: {  	s0 =	sadd.s32 $0x8F2B, s0  }
0xbf: {  	[sflag:s0] =	ssyncadd.remote.s32 $0x1  }
0xc0: {  	_ =	sfence.sel $0xFFFF  }
0xc1: {  	[dreg:$0x0] =	wrdreg $0xFFFFFFFF;
	(pc) =	sbr.abs _section_cstart, $3  }
0xc2: {  	[dreg:$0x1] =	wrdreg $0xFFFFFFFF  }
0xc3: {  	_ =	task.clear_ibuf [dreg:s8], $0x2FFFF;
	_ =	strace $0x9FFFFFFF  }
0xc4: {  	(tm) =	ssettm $0x7FFFFFFF  }
0xc5: {  	_ =	shalt  }
tec
execute0_lowered:
.L_overlay_start_1:
0x0: {  	(tag) =	ssettag $0x1  }
0x1: {  	s0 =	rddreg [dreg:$0x0]  }
0x2: {  	s2 =	rddreg [dreg:$0x1];
	s1 =	srdreg.scid  }
0x3: {  	s9 =	stileid.u32;
	s8 =	rddreg [dreg:$0x2]  }
0x4: {  	s3 =	simm.s32 $0x0;
	s13 =	simm.s32 $0x1000;
	s30 =	simm.s32 $0x9000  }
0x5: {  	s26 =	simm.s32 $0x1;
	s19 =	simm.s32 $0x16000;
	s20 =	simm.s32 $0x16800  }
0x6: {  	s21 =	simm.s32 $0x17000;
	s22 =	simm.s32 $0x17800;
	s23 =	simm.s32 $0x18000  }
0x7: {  	s24 =	simm.s32 $0x18800;
	s25 =	simm.s32 $0x2;
	s28 =	simm.s32 $0x0  }
0x8: {  	s1 =	sand.u32 $0x1, s1;
	s4 =	sshll.u32 s9, $0x1;
	[smem:$0x7FF] =	sst s3  }
0x9: {  	s31 =	sshll.u32 s9, $0x12;
	s4 =	sor.u32 s1, s4;
	s6 =	ssub.s32 $0x2, s1  }
0xa: {  	_ =	strace $0x80000047;
	s1 =	sshll.u32 s1, $0x11;
	s5 =	sshll.u32 s4, $0x9  }
0xb: {  	s29 =	sshrl.u32 s6, $0x1;
	s7 =	sshll.u32 s4, $0x11;
	s0 =	sadd.s32 s5, s0  }
0xc: {  	s11 =	ssub.s32 s6, s29;
	s5 =	sadd.s32 $0x100, s2;
	s6 =	sadd.s32 $0x200, s2  }
0xd: {  	v2 =	vlaneseq.u32;
	s7 =	sadd.s32 s8, s7;
	s4 =	sadd.s32 $0x400, s0;
	s0 =	sadd.s32 s31, s8  }
0xe: {  	vm0 =	vmmov $0xffff;
	v1 =	vshrl.u32 v2, $0x3;
	s8 =	sadd.s32 $0x300, s2;
	s9 =	sadd.s32 $0x1E000, s7;
	s0 =	sadd.s32 s1, s0  }
0xf: {  	v0 =	vand.u32 $0x7, v2;
	v2 =	vor.u32 $0x8, v2;
	v1 =	vmul.u32 $0x8, v1;
	s10 =	sadd.s32 $0x1F000, s7;
	s11 =	smax.u32 s11, $0x1;
	s0 =	sadd.s32 $0x1000, s0  }
.LBB2_1:
0x10: {  	[tilespmem:s3], [sflag:$0x3] =	stream.linear.gather [hbm4b:s4+s3], $0x1000, $0x38;
	[tilespmem:$0x19000] =	vst v63  }
0x11: {  	s1 =	simm.s32 $0x3  }
0x12: {  	_ =	swait.ge [sflag:s1], $0x1000  }
0x13: {  	[sflag:s1] =	ssyncset.done $0x0  }
0x14: {  	[sflag:s1] =	ssyncadd.s32 $0xFFFFF000  }
0x15: {  	v3 =	vld [tilespmem:$0x0];
	_ =	sdelay $0x4  }
0x16: {  	v4 =	vshll.u32 v3, $0x3  }
0x17: {  	v3 =	vand.u32 $0x7, v3;
	v4 =	vand.u32 $0xFFFFFFC0, v4  }
0x18: {  	v3 =	vor.u32 v3, v4  }
0x19: {  	v4 =	vperm.xlane v3, v0;
	_ =	sdelay $0x1  }
0x1a: {  	v4 =	vadd.s32 v1, v4;
	_ =	sdelay $0x4  }
0x1b: {  	[tilespmem:s13], [sflag:$0x1] =	stream.indirect_vreg.gather [hbm4b:s2+s3], $0x80, v4, vm0, $0xb8;
	[tilespmem:$0x19000] =	vst v63  }
0x1c: {  	s12 =	simm.s32 $0x1800;
	v3 =	vperm.xlane v3, v2  }
0x1d: {  	[tilespmem:s12], [sflag:$0x1] =	stream.indirect_vreg.gather [hbm4b:s5+s3], $0x80, v4, vm0, $0xb8;
	[tilespmem:$0x19000] =	vst v63  }
0x1e: {  	s18 =	simm.s32 $0x2000;
	v3 =	vadd.s32 v1, v3  }
0x1f: {  	[tilespmem:s18], [sflag:$0x1] =	stream.indirect_vreg.gather [hbm4b:s6+s3], $0x80, v4, vm0, $0xb8;
	[tilespmem:$0x19000] =	vst v63  }
0x20: {  	s14 =	simm.s32 $0x2800  }
0x21: {  	[tilespmem:s14], [sflag:$0x1] =	stream.indirect_vreg.gather [hbm4b:s8+s3], $0x80, v4, vm0, $0xb8;
	[tilespmem:$0x19000] =	vst v63  }
0x22: {  	s15 =	simm.s32 $0x3000  }
0x23: {  	[tilespmem:s15], [sflag:$0x1] =	stream.indirect_vreg.gather [hbm4b:s2+s3], $0x80, v3, vm0, $0xb8;
	[tilespmem:$0x19000] =	vst v63  }
0x24: {  	s16 =	simm.s32 $0x3800  }
0x25: {  	[tilespmem:s16], [sflag:$0x1] =	stream.indirect_vreg.gather [hbm4b:s5+s3], $0x80, v3, vm0, $0xb8;
	[tilespmem:$0x19000] =	vst v63  }
0x26: {  	s17 =	simm.s32 $0x4000  }
0x27: {  	[tilespmem:s17], [sflag:$0x1] =	stream.indirect_vreg.gather [hbm4b:s6+s3], $0x80, v3, vm0, $0xb8;
	[tilespmem:$0x19000] =	vst v63  }
0x28: {  	s18 =	simm.s32 $0x4800  }
0x29: {  	[tilespmem:s18], [sflag:$0x1] =	stream.indirect_vreg.gather [hbm4b:s8+s3], $0x80, v3, vm0, $0xb8;
	[tilespmem:$0x19000] =	vst v63  }
0x2a: {  	v3 =	vld [tilespmem:$0x10];
	_ =	sdelay $0x4  }
0x2b: {  	v4 =	vshll.u32 v3, $0x3  }
0x2c: {  	v3 =	vand.u32 $0x7, v3;
	v4 =	vand.u32 $0xFFFFFFC0, v4  }
0x2d: {  	v3 =	vor.u32 v3, v4  }
0x2e: {  	v4 =	vperm.xlane v3, v0;
	_ =	sdelay $0x1  }
0x2f: {  	v4 =	vadd.s32 v1, v4;
	_ =	sdelay $0x3  }
0x30: {  	s14 =	simm.s32 $0x5000  }
0x31: {  	[tilespmem:s14], [sflag:$0x1] =	stream.indirect_vreg.gather [hbm4b:s2+s3], $0x80, v4, vm0, $0xb8;
	[tilespmem:$0x19000] =	vst v63  }
0x32: {  	s15 =	simm.s32 $0x5800;
	v3 =	vperm.xlane v3, v2  }
0x33: {  	[tilespmem:s15], [sflag:$0x1] =	stream.indirect_vreg.gather [hbm4b:s5+s3], $0x80, v4, vm0, $0xb8;
	[tilespmem:$0x19000] =	vst v63  }
0x34: {  	s16 =	simm.s32 $0x6000;
	v3 =	vadd.s32 v1, v3  }
0x35: {  	[tilespmem:s16], [sflag:$0x1] =	stream.indirect_vreg.gather [hbm4b:s6+s3], $0x80, v4, vm0, $0xb8;
	[tilespmem:$0x19000] =	vst v63  }
0x36: {  	s17 =	simm.s32 $0x6800  }
0x37: {  	[tilespmem:s17], [sflag:$0x1] =	stream.indirect_vreg.gather [hbm4b:s8+s3], $0x80, v4, vm0, $0xb8;
	[tilespmem:$0x19000] =	vst v63  }
0x38: {  	s18 =	simm.s32 $0x7000  }
0x39: {  	[tilespmem:s18], [sflag:$0x1] =	stream.indirect_vreg.gather [hbm4b:s2+s3], $0x80, v3, vm0, $0xb8;
	[tilespmem:$0x19000] =	vst v63  }
0x3a: {  	s14 =	simm.s32 $0x7800  }
0x3b: {  	[tilespmem:s14], [sflag:$0x1] =	stream.indirect_vreg.gather [hbm4b:s5+s3], $0x80, v3, vm0, $0xb8;
	[tilespmem:$0x19000] =	vst v63  }
0x3c: {  	s15 =	simm.s32 $0x8000  }
0x3d: {  	[tilespmem:s15], [sflag:$0x1] =	stream.indirect_vreg.gather [hbm4b:s6+s3], $0x80, v3, vm0, $0xb8;
	[tilespmem:$0x19000] =	vst v63  }
0x3e: {  	s16 =	simm.s32 $0x8800  }
0x3f: {  	[tilespmem:s16], [sflag:$0x1] =	stream.indirect_vreg.gather [hbm4b:s8+s3], $0x80, v3, vm0, $0xb8;
	[tilespmem:$0x19000] =	vst v63  }
0x40: {  	v3 =	vld [tilespmem:$0x80];
	_ =	sdelay $0x4  }
0x41: {  	v4 =	vshll.u32 v3, $0x3  }
0x42: {  	v3 =	vand.u32 $0x7, v3;
	v4 =	vand.u32 $0xFFFFFFC0, v4  }
0x43: {  	v3 =	vor.u32 v3, v4  }
0x44: {  	v4 =	vperm.xlane v3, v0;
	_ =	sdelay $0x1  }
0x45: {  	v4 =	vadd.s32 v1, v4;
	_ =	sdelay $0x4  }
0x46: {  	[tilespmem:s30], [sflag:$0x1] =	stream.indirect_vreg.gather [hbm4b:s2+s3], $0x80, v4, vm0, $0xb8;
	[tilespmem:$0x19000] =	vst v63  }
0x47: {  	s17 =	simm.s32 $0x9800;
	v3 =	vperm.xlane v3, v2  }
0x48: {  	[tilespmem:s17], [sflag:$0x1] =	stream.indirect_vreg.gather [hbm4b:s5+s3], $0x80, v4, vm0, $0xb8;
	[tilespmem:$0x19000] =	vst v63  }
0x49: {  	s18 =	simm.s32 $0xA000;
	v3 =	vadd.s32 v1, v3  }
0x4a: {  	[tilespmem:s18], [sflag:$0x1] =	stream.indirect_vreg.gather [hbm4b:s6+s3], $0x80, v4, vm0, $0xb8;
	[tilespmem:$0x19000] =	vst v63  }
0x4b: {  	s14 =	simm.s32 $0xA800  }
0x4c: {  	[tilespmem:s14], [sflag:$0x1] =	stream.indirect_vreg.gather [hbm4b:s8+s3], $0x80, v4, vm0, $0xb8;
	[tilespmem:$0x19000] =	vst v63  }
0x4d: {  	s15 =	simm.s32 $0xB000  }
0x4e: {  	[tilespmem:s15], [sflag:$0x1] =	stream.indirect_vreg.gather [hbm4b:s2+s3], $0x80, v3, vm0, $0xb8;
	[tilespmem:$0x19000] =	vst v63  }
0x4f: {  	s16 =	simm.s32 $0xB800  }
0x50: {  	[tilespmem:s16], [sflag:$0x1] =	stream.indirect_vreg.gather [hbm4b:s5+s3], $0x80, v3, vm0, $0xb8;
	[tilespmem:$0x19000] =	vst v63  }
0x51: {  	s17 =	simm.s32 $0xC000  }
0x52: {  	[tilespmem:s17], [sflag:$0x1] =	stream.indirect_vreg.gather [hbm4b:s6+s3], $0x80, v3, vm0, $0xb8;
	[tilespmem:$0x19000] =	vst v63  }
0x53: {  	s18 =	simm.s32 $0xC800  }
0x54: {  	[tilespmem:s18], [sflag:$0x1] =	stream.indirect_vreg.gather [hbm4b:s8+s3], $0x80, v3, vm0, $0xb8;
	[tilespmem:$0x19000] =	vst v63  }
0x55: {  	v3 =	vld [tilespmem:$0x90];
	_ =	sdelay $0x4  }
0x56: {  	v4 =	vshll.u32 v3, $0x3  }
0x57: {  	v3 =	vand.u32 $0x7, v3;
	v4 =	vand.u32 $0xFFFFFFC0, v4  }
0x58: {  	v3 =	vor.u32 v3, v4  }
0x59: {  	v4 =	vperm.xlane v3, v0;
	_ =	sdelay $0x1  }
0x5a: {  	v4 =	vadd.s32 v1, v4;
	_ =	sdelay $0x3  }
0x5b: {  	s14 =	simm.s32 $0xD000  }
0x5c: {  	[tilespmem:s14], [sflag:$0x1] =	stream.indirect_vreg.gather [hbm4b:s2+s3], $0x80, v4, vm0, $0xb8;
	[tilespmem:$0x19000] =	vst v63  }
0x5d: {  	s15 =	simm.s32 $0xD800;
	v3 =	vperm.xlane v3, v2  }
0x5e: {  	[tilespmem:s15], [sflag:$0x1] =	stream.indirect_vreg.gather [hbm4b:s5+s3], $0x80, v4, vm0, $0xb8;
	[tilespmem:$0x19000] =	vst v63  }
0x5f: {  	s16 =	simm.s32 $0xE000;
	v3 =	vadd.s32 v1, v3  }
0x60: {  	[tilespmem:s16], [sflag:$0x1] =	stream.indirect_vreg.gather [hbm4b:s6+s3], $0x80, v4, vm0, $0xb8;
	[tilespmem:$0x19000] =	vst v63  }
0x61: {  	s17 =	simm.s32 $0xE800  }
0x62: {  	[tilespmem:s17], [sflag:$0x1] =	stream.indirect_vreg.gather [hbm4b:s8+s3], $0x80, v4, vm0, $0xb8;
	[tilespmem:$0x19000] =	vst v63  }
0x63: {  	s18 =	simm.s32 $0xF000  }
0x64: {  	[tilespmem:s18], [sflag:$0x1] =	stream.indirect_vreg.gather [hbm4b:s2+s3], $0x80, v3, vm0, $0xb8;
	[tilespmem:$0x19000] =	vst v63  }
0x65: {  	s14 =	simm.s32 $0xF800  }
0x66: {  	[tilespmem:s14], [sflag:$0x1] =	stream.indirect_vreg.gather [hbm4b:s5+s3], $0x80, v3, vm0, $0xb8;
	[tilespmem:$0x19000] =	vst v63  }
0x67: {  	s15 =	simm.s32 $0x10000  }
0x68: {  	[tilespmem:s15], [sflag:$0x1] =	stream.indirect_vreg.gather [hbm4b:s6+s3], $0x80, v3, vm0, $0xb8;
	[tilespmem:$0x19000] =	vst v63  }
0x69: {  	s16 =	simm.s32 $0x10800  }
0x6a: {  	[tilespmem:s16], [sflag:$0x1] =	stream.indirect_vreg.gather [hbm4b:s8+s3], $0x80, v3, vm0, $0xb8;
	[tilespmem:$0x19000] =	vst v63  }
0x6b: {  	_ =	swait.ge [sflag:s26], $0x8000  }
0x6c: {  	[sflag:s26] =	ssyncset.done $0x0  }
0x6d: {  	[sflag:s26] =	ssyncadd.s32 $0xFFFF8000  }
0x6e: {  	[hbm4b:s7+s3] =	stream.linear.scatter [tilespmem:s13], [sflag:$0x2], $0x8000, $0x38;
	[tilespmem:$0x19000] =	vst v63  }
0x6f: {  	v3 =	vld [tilespmem:$0x100];
	_ =	sdelay $0x4  }
0x70: {  	v4 =	vshll.u32 v3, $0x3  }
0x71: {  	v3 =	vand.u32 $0x7, v3;
	v4 =	vand.u32 $0xFFFFFFC0, v4  }
0x72: {  	v3 =	vor.u32 v3, v4  }
0x73: {  	v4 =	vperm.xlane v3, v0;
	_ =	sdelay $0x1  }
0x74: {  	v4 =	vadd.s32 v1, v4;
	_ =	sdelay $0x3  }
0x75: {  	s17 =	simm.s32 $0x11000  }
0x76: {  	[tilespmem:s17], [sflag:$0x1] =	stream.indirect_vreg.gather [hbm4b:s2+s3], $0x80, v4, vm0, $0xb8;
	[tilespmem:$0x19000] =	vst v63  }
0x77: {  	s18 =	simm.s32 $0x11800;
	v3 =	vperm.xlane v3, v2  }
0x78: {  	[tilespmem:s18], [sflag:$0x1] =	stream.indirect_vreg.gather [hbm4b:s5+s3], $0x80, v4, vm0, $0xb8;
	[tilespmem:$0x19000] =	vst v63  }
0x79: {  	s14 =	simm.s32 $0x12000;
	v3 =	vadd.s32 v1, v3  }
0x7a: {  	[tilespmem:s14], [sflag:$0x1] =	stream.indirect_vreg.gather [hbm4b:s6+s3], $0x80, v4, vm0, $0xb8;
	[tilespmem:$0x19000] =	vst v63  }
0x7b: {  	s15 =	simm.s32 $0x12800  }
0x7c: {  	[tilespmem:s15], [sflag:$0x1] =	stream.indirect_vreg.gather [hbm4b:s8+s3], $0x80, v4, vm0, $0xb8;
	[tilespmem:$0x19000] =	vst v63  }
0x7d: {  	s16 =	simm.s32 $0x13000  }
0x7e: {  	[tilespmem:s16], [sflag:$0x1] =	stream.indirect_vreg.gather [hbm4b:s2+s3], $0x80, v3, vm0, $0xb8;
	[tilespmem:$0x19000] =	vst v63  }
0x7f: {  	s17 =	simm.s32 $0x13800  }
0x80: {  	[tilespmem:s17], [sflag:$0x1] =	stream.indirect_vreg.gather [hbm4b:s5+s3], $0x80, v3, vm0, $0xb8;
	[tilespmem:$0x19000] =	vst v63  }
0x81: {  	s18 =	simm.s32 $0x14000  }
0x82: {  	[tilespmem:s18], [sflag:$0x1] =	stream.indirect_vreg.gather [hbm4b:s6+s3], $0x80, v3, vm0, $0xb8;
	[tilespmem:$0x19000] =	vst v63  }
0x83: {  	s14 =	simm.s32 $0x14800  }
0x84: {  	[tilespmem:s14], [sflag:$0x1] =	stream.indirect_vreg.gather [hbm4b:s8+s3], $0x80, v3, vm0, $0xb8;
	[tilespmem:$0x19000] =	vst v63  }
0x85: {  	v3 =	vld [tilespmem:$0x110];
	_ =	sdelay $0x4  }
0x86: {  	v4 =	vshll.u32 v3, $0x3  }
0x87: {  	v3 =	vand.u32 $0x7, v3;
	v4 =	vand.u32 $0xFFFFFFC0, v4  }
0x88: {  	v3 =	vor.u32 v3, v4  }
0x89: {  	v4 =	vperm.xlane v3, v0;
	_ =	sdelay $0x1  }
0x8a: {  	v4 =	vadd.s32 v1, v4;
	_ =	sdelay $0x3  }
0x8b: {  	s15 =	simm.s32 $0x15000  }
0x8c: {  	[tilespmem:s15], [sflag:$0x1] =	stream.indirect_vreg.gather [hbm4b:s2+s3], $0x80, v4, vm0, $0xb8;
	[tilespmem:$0x19000] =	vst v63  }
0x8d: {  	s1 =	smul.u32 $0xAB, s1;
	s16 =	simm.s32 $0x15800;
	v3 =	vperm.xlane v3, v2  }
0x8e: {  	[tilespmem:s16], [sflag:$0x1] =	stream.indirect_vreg.gather [hbm4b:s5+s3], $0x80, v4, vm0, $0xb8;
	[tilespmem:$0x19000] =	vst v63  }
0x8f: {  	s17 =	sadd.s32 $0xFFFFFEAA, s1;
	v3 =	vadd.s32 v1, v3  }
0x90: {  	[tilespmem:s19], [sflag:$0x1] =	stream.indirect_vreg.gather [hbm4b:s6+s3], $0x80, v4, vm0, $0xb8;
	[tilespmem:$0x19000] =	vst v63  }
0x91: {  	s12 =	sshrl.u32 s17, $0x9  }
0x92: {  	[tilespmem:s20], [sflag:$0x1] =	stream.indirect_vreg.gather [hbm4b:s8+s3], $0x80, v4, vm0, $0xb8;
	[tilespmem:$0x19000] =	vst v63  }
0x93: {  	s12 =	sand.u32 $0x7F, s12  }
0x94: {  	[tilespmem:s21], [sflag:$0x1] =	stream.indirect_vreg.gather [hbm4b:s2+s3], $0x80, v3, vm0, $0xb8;
	[tilespmem:$0x19000] =	vst v63  }
0x95: {  	s12 =	smul.u32 $0x3, s12  }
0x96: {  	[tilespmem:s22], [sflag:$0x1] =	stream.indirect_vreg.gather [hbm4b:s5+s3], $0x80, v3, vm0, $0xb8;
	[tilespmem:$0x19000] =	vst v63  }
0x97: {  	s12 =	ssub.s32 $0x3, s12  }
0x98: {  	[tilespmem:s23], [sflag:$0x1] =	stream.indirect_vreg.gather [hbm4b:s6+s3], $0x80, v3, vm0, $0xb8;
	[tilespmem:$0x19000] =	vst v63  }
0x99: {  	s12 =	sadd.s32 $0xFFFFFFFE, s12  }
0x9a: {  	[tilespmem:s24], [sflag:$0x1] =	stream.indirect_vreg.gather [hbm4b:s8+s3], $0x80, v3, vm0, $0xb8;
	[tilespmem:$0x19000] =	vst v63  }
0x9b: {  	s12 =	sand.u32 $0xFF, s12;
	_ =	swait.ge [sflag:s26], $0x8000  }
0x9c: {  	s12 =	sshll.u32 s12, $0xF;
	[sflag:s26] =	ssyncset.done $0x0  }
0x9d: {  	s12 =	sor.u32 $0x1000, s12;
	[sflag:s26] =	ssyncadd.s32 $0xFFFF8000  }
0x9e: {  	[hbm4b:s0+s3] =	stream.linear.scatter [tilespmem:s12], [sflag:$0x2], $0x8000, $0x38;
	[tilespmem:$0x19000] =	vst v63  }
0x9f: {  	_ =	swait.ge [sflag:s25], $0x8000  }
0xa0: {  	[sflag:s25] =	ssyncset.done $0x0  }
0xa1: {  	s29 =	simm.s32 $0x190;
	[sflag:s25] =	ssyncadd.s32 $0xFFFF8000  }
0xa2: {  	v3 =	vld [tilespmem:s29+$0xFFFFFFF0];
	_ =	sdelay $0x4  }
0xa3: {  	v4 =	vshll.u32 v3, $0x3  }
0xa4: {  	v3 =	vand.u32 $0x7, v3;
	v4 =	vand.u32 $0xFFFFFFC0, v4  }
0xa5: {  	s1 =	sshrl.u32 s1, $0x9;
	v3 =	vor.u32 v3, v4  }
0xa6: {  	s1 =	sand.u32 $0x7F, s1;
	v4 =	vperm.xlane v3, v0  }
0xa7: {  	s1 =	smul.u32 $0x3, s1  }
0xa8: {  	v4 =	vadd.s32 v1, v4  }
0xa9: {  	s1 =	ssub.s32 $0x3, s1  }
0xaa: {  	s1 =	sand.u32 $0xFF, s1  }
0xab: {  	s31 =	sshll.u32 s1, $0xF  }
0xac: {  	s1 =	sor.u32 $0x1000, s31  }
0xad: {  	[tilespmem:s1], [sflag:$0x1] =	stream.indirect_vreg.gather [hbm4b:s2+s3], $0x80, v4, vm0, $0xb8;
	[tilespmem:$0x19000] =	vst v63  }
0xae: {  	s18 =	sor.u32 $0x1800, s31;
	v3 =	vperm.xlane v3, v2  }
0xaf: {  	[tilespmem:s18], [sflag:$0x1] =	stream.indirect_vreg.gather [hbm4b:s5+s3], $0x80, v4, vm0, $0xb8;
	[tilespmem:$0x19000] =	vst v63  }
0xb0: {  	s12 =	sor.u32 $0x2000, s31;
	v3 =	vadd.s32 v1, v3  }
0xb1: {  	[tilespmem:s12], [sflag:$0x1] =	stream.indirect_vreg.gather [hbm4b:s6+s3], $0x80, v4, vm0, $0xb8;
	[tilespmem:$0x19000] =	vst v63  }
0xb2: {  	s14 =	sor.u32 $0x2800, s31  }
0xb3: {  	[tilespmem:s14], [sflag:$0x1] =	stream.indirect_vreg.gather [hbm4b:s8+s3], $0x80, v4, vm0, $0xb8;
	[tilespmem:$0x19000] =	vst v63  }
0xb4: {  	s15 =	sor.u32 $0x3000, s31  }
0xb5: {  	[tilespmem:s15], [sflag:$0x1] =	stream.indirect_vreg.gather [hbm4b:s2+s3], $0x80, v3, vm0, $0xb8;
	[tilespmem:$0x19000] =	vst v63  }
0xb6: {  	s16 =	sor.u32 $0x3800, s31  }
0xb7: {  	[tilespmem:s16], [sflag:$0x1] =	stream.indirect_vreg.gather [hbm4b:s5+s3], $0x80, v3, vm0, $0xb8;
	[tilespmem:$0x19000] =	vst v63  }
0xb8: {  	s17 =	sor.u32 $0x4000, s31  }
0xb9: {  	[tilespmem:s17], [sflag:$0x1] =	stream.indirect_vreg.gather [hbm4b:s6+s3], $0x80, v3, vm0, $0xb8;
	[tilespmem:$0x19000] =	vst v63  }
0xba: {  	s18 =	sor.u32 $0x4800, s31  }
0xbb: {  	[tilespmem:s18], [sflag:$0x1] =	stream.indirect_vreg.gather [hbm4b:s8+s3], $0x80, v3, vm0, $0xb8;
	[tilespmem:$0x19000] =	vst v63  }
0xbc: {  	v3 =	vld [tilespmem:s29+$0x0];
	_ =	sdelay $0x4  }
0xbd: {  	v4 =	vshll.u32 v3, $0x3  }
0xbe: {  	v3 =	vand.u32 $0x7, v3;
	v4 =	vand.u32 $0xFFFFFFC0, v4  }
0xbf: {  	v3 =	vor.u32 v3, v4  }
0xc0: {  	v5 =	vperm.xlane v3, v0;
	_ =	sdelay $0x1  }
0xc1: {  	s1 =	simm.s32 $0x4;
	s12 =	smov.u32 s0;
	s14 =	simm.s32 $0x5;
	v4 =	vperm.xlane v3, v2;
	v3 =	vadd.s32 v1, v5  }
.LBB2_2:
0xc2: {  	s29 =	sadd.s32 $0x80, s29  }
0xc3: {  	s12 =	sadd.s32 $0x1000, s12;
	s16 =	smov.u32 s14;
	s15 =	sadd.s32 $0x1, s14  }
0xc4: {  	p0 =	sne.s32 s14, $0x1F  }
0xc5: {  	s14 =	sor.u32 $0x5000, s31  }
0xc6: {  	[tilespmem:s14], [sflag:$0x1] =	stream.indirect_vreg.gather [hbm4b:s2+s3], $0x80, v3, vm0, $0xb8;
	[tilespmem:$0x19000] =	vst v63  }
0xc7: {  	s14 =	sor.u32 $0x5800, s31  }
0xc8: {  	[tilespmem:s14], [sflag:$0x1] =	stream.indirect_vreg.gather [hbm4b:s5+s3], $0x80, v3, vm0, $0xb8;
	[tilespmem:$0x19000] =	vst v63  }
0xc9: {  	s17 =	sor.u32 $0x6000, s31;
	v4 =	vadd.s32 v1, v4;
	s14 =	smul.u32 $0xAB, s1  }
0xca: {  	[tilespmem:s17], [sflag:$0x1] =	stream.indirect_vreg.gather [hbm4b:s6+s3], $0x80, v3, vm0, $0xb8;
	[tilespmem:$0x19000] =	vst v63  }
0xcb: {  	s18 =	sor.u32 $0x6800, s31;
	s17 =	sadd.s32 $0xFFFFFEAA, s14;
	s14 =	sshrl.u32 s14, $0x9  }
0xcc: {  	[tilespmem:s18], [sflag:$0x1] =	stream.indirect_vreg.gather [hbm4b:s8+s3], $0x80, v3, vm0, $0xb8;
	[tilespmem:$0x19000] =	vst v63  }
0xcd: {  	s17 =	sshrl.u32 s17, $0x9;
	s14 =	sand.u32 $0x7F, s14;
	s18 =	sor.u32 $0x7000, s31  }
0xce: {  	[tilespmem:s18], [sflag:$0x1] =	stream.indirect_vreg.gather [hbm4b:s2+s3], $0x80, v4, vm0, $0xb8;
	[tilespmem:$0x19000] =	vst v63  }
0xcf: {  	s17 =	sand.u32 $0x7F, s17;
	s14 =	smul.u32 $0x3, s14;
	s18 =	sor.u32 $0x7800, s31  }
0xd0: {  	[tilespmem:s18], [sflag:$0x1] =	stream.indirect_vreg.gather [hbm4b:s5+s3], $0x80, v4, vm0, $0xb8;
	[tilespmem:$0x19000] =	vst v63  }
0xd1: {  	s17 =	smul.u32 $0x3, s17;
	s14 =	ssub.s32 s1, s14;
	s18 =	sadd.s32 $0x8000, s31  }
0xd2: {  	[tilespmem:s18], [sflag:$0x1] =	stream.indirect_vreg.gather [hbm4b:s6+s3], $0x80, v4, vm0, $0xb8;
	[tilespmem:$0x19000] =	vst v63  }
0xd3: {  	s1 =	ssub.s32 s1, s17;
	s14 =	sand.u32 $0xFF, s14;
	s17 =	sadd.s32 $0x8800, s31  }
0xd4: {  	[tilespmem:s17], [sflag:$0x1] =	stream.indirect_vreg.gather [hbm4b:s8+s3], $0x80, v4, vm0, $0xb8;
	[tilespmem:$0x19000] =	vst v63  }
0xd5: {  	s31 =	sshll.u32 s14, $0xF;
	s17 =	sadd.s32 $0xFFFFFFFE, s1;
	s1 =	smov.u32 s16  }
0xd6: {  	s14 =	sand.u32 $0xFF, s17;
	_ =	swait.ge [sflag:s26], $0x8000  }
0xd7: {  	s14 =	sshll.u32 s14, $0xF;
	[sflag:s26] =	ssyncset.done $0x0  }
0xd8: {  	s14 =	sor.u32 $0x1000, s14;
	[sflag:s26] =	ssyncadd.s32 $0xFFFF8000  }
0xd9: {  	[hbm4b:s12+s3] =	stream.linear.scatter [tilespmem:s14], [sflag:$0x2], $0x8000, $0x38;
	[tilespmem:$0x19000] =	vst v63  }
0xda: {  	_ =	swait.ge [sflag:s25], $0x8000  }
0xdb: {  	[sflag:s25] =	ssyncset.done $0x0  }
0xdc: {  	[sflag:s25] =	ssyncadd.s32 $0xFFFF8000  }
0xdd: {  	v3 =	vld [tilespmem:s29+$0xFFFFFFF0];
	_ =	sdelay $0x4  }
0xde: {  	v4 =	vshll.u32 v3, $0x3  }
0xdf: {  	v3 =	vand.u32 $0x7, v3;
	v4 =	vand.u32 $0xFFFFFFC0, v4  }
0xe0: {  	v3 =	vor.u32 v3, v4  }
0xe1: {  	v4 =	vperm.xlane v3, v0;
	v3 =	vperm.xlane v3, v2;
	_ =	sdelay $0x1  }
0xe2: {  	v4 =	vadd.s32 v1, v4;
	_ =	sdelay $0x3  }
0xe3: {  	s14 =	sor.u32 $0x1000, s31  }
0xe4: {  	[tilespmem:s14], [sflag:$0x1] =	stream.indirect_vreg.gather [hbm4b:s2+s3], $0x80, v4, vm0, $0xb8;
	[tilespmem:$0x19000] =	vst v63  }
0xe5: {  	s14 =	sor.u32 $0x1800, s31  }
0xe6: {  	[tilespmem:s14], [sflag:$0x1] =	stream.indirect_vreg.gather [hbm4b:s5+s3], $0x80, v4, vm0, $0xb8;
	[tilespmem:$0x19000] =	vst v63  }
0xe7: {  	v3 =	vadd.s32 v1, v3;
	s14 =	sor.u32 $0x2000, s31  }
0xe8: {  	[tilespmem:s14], [sflag:$0x1] =	stream.indirect_vreg.gather [hbm4b:s6+s3], $0x80, v4, vm0, $0xb8;
	[tilespmem:$0x19000] =	vst v63  }
0xe9: {  	s14 =	sor.u32 $0x2800, s31  }
0xea: {  	[tilespmem:s14], [sflag:$0x1] =	stream.indirect_vreg.gather [hbm4b:s8+s3], $0x80, v4, vm0, $0xb8;
	[tilespmem:$0x19000] =	vst v63  }
0xeb: {  	s14 =	sor.u32 $0x3000, s31  }
0xec: {  	[tilespmem:s14], [sflag:$0x1] =	stream.indirect_vreg.gather [hbm4b:s2+s3], $0x80, v3, vm0, $0xb8;
	[tilespmem:$0x19000] =	vst v63  }
0xed: {  	s14 =	sor.u32 $0x3800, s31  }
0xee: {  	[tilespmem:s14], [sflag:$0x1] =	stream.indirect_vreg.gather [hbm4b:s5+s3], $0x80, v3, vm0, $0xb8;
	[tilespmem:$0x19000] =	vst v63  }
0xef: {  	s14 =	sor.u32 $0x4000, s31  }
0xf0: {  	[tilespmem:s14], [sflag:$0x1] =	stream.indirect_vreg.gather [hbm4b:s6+s3], $0x80, v3, vm0, $0xb8;
	[tilespmem:$0x19000] =	vst v63  }
0xf1: {  	s14 =	sor.u32 $0x4800, s31  }
0xf2: {  	[tilespmem:s14], [sflag:$0x1] =	stream.indirect_vreg.gather [hbm4b:s8+s3], $0x80, v3, vm0, $0xb8;
	[tilespmem:$0x19000] =	vst v63  }
0xf3: {  	v3 =	vld [tilespmem:s29+$0x0];
	_ =	sdelay $0x4  }
0xf4: {  	v4 =	vshll.u32 v3, $0x3  }
.Ltmp0:
0xf5: {  	v3 =	vand.u32 $0x7, v3;
	v4 =	vand.u32 $0xFFFFFFC0, v4;
	(pc) =	sbr.rel @p0 .LBB2_2-.Ltmp0, $3  }
0xf6: {  	v3 =	vor.u32 v3, v4  }
0xf7: {  	v5 =	vperm.xlane v3, v0;
	v4 =	vperm.xlane v3, v2;
	_ =	sdelay $0x1  }
0xf8: {  	s14 =	smov.u32 s15;
	v3 =	vadd.s32 v1, v5  }
0xf9: {  	_ =	sdelay $0x2  }
0xfa: {  	s14 =	sor.u32 $0x5000, s31  }
0xfb: {  	[tilespmem:s14], [sflag:$0x1] =	stream.indirect_vreg.gather [hbm4b:s2+s3], $0x80, v3, vm0, $0xb8;
	[tilespmem:$0x19000] =	vst v63  }
0xfc: {  	s16 =	sor.u32 $0x5800, s31;
	s14 =	smul.u32 $0xAB, s1  }
0xfd: {  	[tilespmem:s16], [sflag:$0x1] =	stream.indirect_vreg.gather [hbm4b:s5+s3], $0x80, v3, vm0, $0xb8;
	[tilespmem:$0x19000] =	vst v63  }
0xfe: {  	s15 =	sor.u32 $0x6000, s31;
	v4 =	vadd.s32 v1, v4;
	s17 =	sadd.s32 $0xFFFFFEAA, s14  }
0xff: {  	[tilespmem:s15], [sflag:$0x1] =	stream.indirect_vreg.gather [hbm4b:s6+s3], $0x80, v3, vm0, $0xb8;
	[tilespmem:$0x19000] =	vst v63  }
0x100: {  	s16 =	sor.u32 $0x6800, s31;
	s15 =	sshrl.u32 s17, $0x9  }
0x101: {  	[tilespmem:s16], [sflag:$0x1] =	stream.indirect_vreg.gather [hbm4b:s8+s3], $0x80, v3, vm0, $0xb8;
	[tilespmem:$0x19000] =	vst v63  }
0x102: {  	s18 =	sor.u32 $0x7000, s31;
	s15 =	sand.u32 $0x7F, s15  }
0x103: {  	[tilespmem:s18], [sflag:$0x1] =	stream.indirect_vreg.gather [hbm4b:s2+s3], $0x80, v4, vm0, $0xb8;
	[tilespmem:$0x19000] =	vst v63  }
0x104: {  	s17 =	sor.u32 $0x7800, s31;
	s15 =	smul.u32 $0x3, s15  }
0x105: {  	[tilespmem:s17], [sflag:$0x1] =	stream.indirect_vreg.gather [hbm4b:s5+s3], $0x80, v4, vm0, $0xb8;
	[tilespmem:$0x19000] =	vst v63  }
0x106: {  	s18 =	sadd.s32 $0x8000, s31;
	s15 =	ssub.s32 s1, s15  }
0x107: {  	[tilespmem:s18], [sflag:$0x1] =	stream.indirect_vreg.gather [hbm4b:s6+s3], $0x80, v4, vm0, $0xb8;
	[tilespmem:$0x19000] =	vst v63  }
0x108: {  	s15 =	sadd.s32 $0xFFFFFFFE, s15;
	s17 =	sadd.s32 $0x8800, s31  }
0x109: {  	[tilespmem:s17], [sflag:$0x1] =	stream.indirect_vreg.gather [hbm4b:s8+s3], $0x80, v4, vm0, $0xb8;
	[tilespmem:$0x19000] =	vst v63  }
0x10a: {  	s15 =	sand.u32 $0xFF, s15;
	_ =	swait.ge [sflag:s26], $0x8000  }
0x10b: {  	s15 =	sshll.u32 s15, $0xF;
	[sflag:s26] =	ssyncset.done $0x0  }
0x10c: {  	s12 =	sadd.s32 $0x1000, s12;
	s15 =	sor.u32 $0x1000, s15;
	[sflag:s26] =	ssyncadd.s32 $0xFFFF8000  }
0x10d: {  	[hbm4b:s12+s3] =	stream.linear.scatter [tilespmem:s15], [sflag:$0x2], $0x8000, $0x38;
	[tilespmem:$0x19000] =	vst v63  }
0x10e: {  	_ =	swait.ge [sflag:s25], $0x8000  }
0x10f: {  	[sflag:s25] =	ssyncset.done $0x0  }
0x110: {  	s12 =	sadd.s32 $0x80, s29;
	[sflag:s25] =	ssyncadd.s32 $0xFFFF8000  }
0x111: {  	v3 =	vld [tilespmem:s12+$0xFFFFFFF0];
	_ =	sdelay $0x4  }
0x112: {  	v62 =	vshll.u32 v3, $0x3  }
0x113: {  	v3 =	vand.u32 $0x7, v3;
	v4 =	vand.u32 $0xFFFFFFC0, v62  }
0x114: {  	s14 =	sshrl.u32 s14, $0x9;
	v3 =	vor.u32 v3, v4  }
0x115: {  	s14 =	sand.u32 $0x7F, s14;
	v4 =	vperm.xlane v3, v0  }
0x116: {  	s14 =	smul.u32 $0x3, s14  }
0x117: {  	v4 =	vadd.s32 v1, v4  }
0x118: {  	s18 =	ssub.s32 s1, s14  }
0x119: {  	s1 =	sand.u32 $0xFF, s18  }
0x11a: {  	s1 =	sshll.u32 s1, $0xF  }
0x11b: {  	s29 =	sor.u32 $0x1000, s1  }
0x11c: {  	[tilespmem:s29], [sflag:$0x1] =	stream.indirect_vreg.gather [hbm4b:s2+s3], $0x80, v4, vm0, $0xb8;
	[tilespmem:$0x19000] =	vst v63  }
0x11d: {  	s31 =	sor.u32 $0x1800, s1;
	v3 =	vperm.xlane v3, v2  }
0x11e: {  	[tilespmem:s31], [sflag:$0x1] =	stream.indirect_vreg.gather [hbm4b:s5+s3], $0x80, v4, vm0, $0xb8;
	[tilespmem:$0x19000] =	vst v63  }
0x11f: {  	s15 =	sor.u32 $0x2000, s1;
	v3 =	vadd.s32 v1, v3  }
0x120: {  	[tilespmem:s15], [sflag:$0x1] =	stream.indirect_vreg.gather [hbm4b:s6+s3], $0x80, v4, vm0, $0xb8;
	[tilespmem:$0x19000] =	vst v63  }
0x121: {  	s16 =	sor.u32 $0x2800, s1  }
0x122: {  	[tilespmem:s16], [sflag:$0x1] =	stream.indirect_vreg.gather [hbm4b:s8+s3], $0x80, v4, vm0, $0xb8;
	[tilespmem:$0x19000] =	vst v63  }
0x123: {  	s17 =	sor.u32 $0x3000, s1  }
0x124: {  	[tilespmem:s17], [sflag:$0x1] =	stream.indirect_vreg.gather [hbm4b:s2+s3], $0x80, v3, vm0, $0xb8;
	[tilespmem:$0x19000] =	vst v63  }
0x125: {  	s18 =	sor.u32 $0x3800, s1  }
0x126: {  	[tilespmem:s18], [sflag:$0x1] =	stream.indirect_vreg.gather [hbm4b:s5+s3], $0x80, v3, vm0, $0xb8;
	[tilespmem:$0x19000] =	vst v63  }
0x127: {  	s29 =	sor.u32 $0x4000, s1  }
0x128: {  	[tilespmem:s29], [sflag:$0x1] =	stream.indirect_vreg.gather [hbm4b:s6+s3], $0x80, v3, vm0, $0xb8;
	[tilespmem:$0x19000] =	vst v63  }
0x129: {  	s31 =	sor.u32 $0x4800, s1  }
0x12a: {  	[tilespmem:s31], [sflag:$0x1] =	stream.indirect_vreg.gather [hbm4b:s8+s3], $0x80, v3, vm0, $0xb8;
	[tilespmem:$0x19000] =	vst v63  }
0x12b: {  	v3 =	vld [tilespmem:s12+$0x0];
	_ =	sdelay $0x4  }
0x12c: {  	v63 =	vshll.u32 v3, $0x3  }
0x12d: {  	v3 =	vand.u32 $0x7, v3;
	v4 =	vand.u32 $0xFFFFFFC0, v63  }
0x12e: {  	v3 =	vor.u32 v3, v4  }
0x12f: {  	v4 =	vperm.xlane v3, v0;
	_ =	sdelay $0x1  }
0x130: {  	v4 =	vadd.s32 v1, v4;
	_ =	sdelay $0x3  }
0x131: {  	s14 =	sor.u32 $0x5000, s1  }
0x132: {  	[tilespmem:s14], [sflag:$0x1] =	stream.indirect_vreg.gather [hbm4b:s2+s3], $0x80, v4, vm0, $0xb8;
	[tilespmem:$0x19000] =	vst v63  }
0x133: {  	s15 =	sor.u32 $0x5800, s1;
	v3 =	vperm.xlane v3, v2  }
0x134: {  	[tilespmem:s15], [sflag:$0x1] =	stream.indirect_vreg.gather [hbm4b:s5+s3], $0x80, v4, vm0, $0xb8;
	[tilespmem:$0x19000] =	vst v63  }
0x135: {  	s16 =	sor.u32 $0x6000, s1;
	v3 =	vadd.s32 v1, v3  }
0x136: {  	[tilespmem:s16], [sflag:$0x1] =	stream.indirect_vreg.gather [hbm4b:s6+s3], $0x80, v4, vm0, $0xb8;
	[tilespmem:$0x19000] =	vst v63  }
0x137: {  	s17 =	sor.u32 $0x6800, s1  }
0x138: {  	[tilespmem:s17], [sflag:$0x1] =	stream.indirect_vreg.gather [hbm4b:s8+s3], $0x80, v4, vm0, $0xb8;
	[tilespmem:$0x19000] =	vst v63  }
0x139: {  	s18 =	sor.u32 $0x7000, s1  }
0x13a: {  	[tilespmem:s18], [sflag:$0x1] =	stream.indirect_vreg.gather [hbm4b:s2+s3], $0x80, v3, vm0, $0xb8;
	[tilespmem:$0x19000] =	vst v63  }
0x13b: {  	s29 =	sor.u32 $0x7800, s1  }
0x13c: {  	[tilespmem:s29], [sflag:$0x1] =	stream.indirect_vreg.gather [hbm4b:s5+s3], $0x80, v3, vm0, $0xb8;
	[tilespmem:$0x19000] =	vst v63  }
0x13d: {  	s31 =	sadd.s32 $0x8000, s1  }
0x13e: {  	[tilespmem:s31], [sflag:$0x1] =	stream.indirect_vreg.gather [hbm4b:s6+s3], $0x80, v3, vm0, $0xb8;
	[tilespmem:$0x19000] =	vst v63  }
0x13f: {  	s1 =	sadd.s32 $0x8800, s1  }
0x140: {  	[tilespmem:s1], [sflag:$0x1] =	stream.indirect_vreg.gather [hbm4b:s8+s3], $0x80, v3, vm0, $0xb8;
	[tilespmem:$0x19000] =	vst v63  }
0x141: {  	_ =	swait.ge [sflag:s26], $0x8000  }
0x142: {  	[sflag:s26] =	ssyncset.done $0x0  }
0x143: {  	[sflag:s26] =	ssyncadd.s32 $0xFFFF8000  }
0x144: {  	[hbm4b:s9+s3] =	stream.linear.scatter [tilespmem:s13], [sflag:$0x2], $0x8000, $0x38;
	[tilespmem:$0x19000] =	vst v63  }
0x145: {  	_ =	swait.ge [sflag:s26], $0x8000  }
0x146: {  	[sflag:s26] =	ssyncset.done $0x0  }
0x147: {  	[sflag:s26] =	ssyncadd.s32 $0xFFFF8000  }
0x148: {  	[hbm4b:s10+s3] =	stream.linear.scatter [tilespmem:s30], [sflag:$0x2], $0x8000, $0x38;
	[tilespmem:$0x19000] =	vst v63  }
0x149: {  	_ =	swait.ge [sflag:s25], $0x8000  }
0x14a: {  	[sflag:s25] =	ssyncset.done $0x0  }
0x14b: {  	s28 =	sadd.s32 $0x1, s28;
	[sflag:s25] =	ssyncadd.s32 $0xFFFF8000  }
0x14c: {  	p0 =	sne.s32 s28, s11;
	_ =	swait.ge [sflag:s25], $0x8000  }
.Ltmp1:
0x14d: {  	[sflag:s25] =	ssyncset.done $0x0;
	(pc) =	sbr.rel @p0 .LBB2_1-.Ltmp1, $4  }
0x14e: {  	[sflag:s25] =	ssyncadd.s32 $0xFFFF8000  }
0x14f: {  	_ =	swait.ge [sflag:s25], $0x8000  }
0x150: {  	[sflag:s25] =	ssyncset.done $0x0  }
0x151: {  	[sflag:s25] =	ssyncadd.s32 $0xFFFF8000  }
0x152: {  	_ =	sfence.sel $0x180000  }
0x153: {  	[bflag:$0x0] =	sbarrier.arrive $0xFFFF  }
0x154: {  	_ =	strace $0x90000047  }
0x155: {  	s0 =	stileid.u32;
	[bflag:$0x2] =	sbarrier.arrive $0xFFFF  }
0x156: {  	p0 =	sne.s32 s0, $0x0;
	s0 =	rddreg [dreg:$0x3]  }
0x157: {  	s0 =	sadd.s32 @!p0 $0x100000, s0  }
0x158: {  	[sflag:s0] =	ssyncadd.tile.s32 @!p0 $0x1;
	_ =	shalt  }
.Lfunc_end2:
_tile_overlayer_lowered:
.L_overlay_start_2:
0x159: {  	(tag) =	ssettag $0x2  }
0x15a: {  	s0 =	rddreg [dreg:$0x0];
	s2 =	stileid.u32  }
0x15b: {  	s1 =	rddreg [dreg:$0x1];
	p0 =	sne.s32 s2, $0x0  }
0x15c: {  	s3 =	rddreg [dreg:$0x2];
	[bflag:$0x3] =	sbarrier.arrive $0xFFFF;
	s2 =	simm.s32 @!p0 $0x1C03  }
0x15d: {  	[timem:s3], [sflag:s2] =	dma.local @!p0 [hbm:s0], s1  }
0x15e: {  	s0 =	simm.s32 @!p0 $0x3  }
0x15f: {  	_ =	swait.ge @!p0 [sflag:s0], s1  }
0x160: {  	s1 =	ssub.s32 @!p0 $0x0, s1;
	[sflag:s0] =	ssyncset.done @!p0 $0x0  }
0x161: {  	[sflag:s0] =	ssyncadd.s32 @!p0 s1  }
0x162: {  	[bflag:$0x3] =	sbarrier.arrive $0xFFFF  }
0x163: {  	_ =	shalt  }

</sc_bundles>
